<compile_context>
chip_gen: v7x
topology: tpu7x:2x2x1
jax: 0.10.2.dev20260603
libtpu: 0.0.44.dev20260713+nightly
codegen_flags: <defaults>
</compile_context>

<pallas_src>
import functools

import jax
import jax.numpy as jnp
from jax import lax
from jax.experimental import pallas as pl
from jax.experimental.pallas import tpu as pltpu
from jax.experimental.pallas import tpu_sc as plsc

B, L = 4, 2048
LL = L * L
IGNORE = -1
BAND = 24

NC, NS = 2, 16
NW = NC * NS
CHUNK = LL // NW
BLK = 8192
NBLK = CHUNK // BLK
TCAP = 4096
THETA = 0.98

ROWS_PER_BLOCK = 256
ONE_F32_BITS = 0x3F800000


def _loss_body(pred_ref, tgt_ref, sq_ref, cnt_ref):
    i = pl.program_id(0)
    j = pl.program_id(1)

    @pl.when((i == 0) & (j == 0))
    def _():
        sq_ref[...] = jnp.zeros_like(sq_ref)
        cnt_ref[...] = jnp.zeros_like(cnt_ref)

    p = pred_ref[0]
    t = tgt_ref[0]
    valid = t != IGNORE
    d = p - t.astype(jnp.float32)
    sq = jnp.where(valid, d * d, 0.0)
    sq_ref[...] += jnp.sum(sq)
    cnt_ref[...] += jnp.sum(valid.astype(jnp.float32))


def _loss_sums(prediction, targets):
    return pl.pallas_call(
        _loss_body,
        grid=(B, L // ROWS_PER_BLOCK),
        in_specs=[
            pl.BlockSpec((1, ROWS_PER_BLOCK, L), lambda i, j: (i, j, 0)),
            pl.BlockSpec((1, ROWS_PER_BLOCK, L), lambda i, j: (i, j, 0)),
        ],
        out_specs=[
            pl.BlockSpec((8, 128), lambda i, j: (0, 0)),
            pl.BlockSpec((8, 128), lambda i, j: (0, 0)),
        ],
        out_shape=[
            jax.ShapeDtypeStruct((8, 128), jnp.float32),
            jax.ShapeDtypeStruct((8, 128), jnp.float32),
        ],
    )(prediction, targets)


def _compact_body(pred_ref, tflat_ref, vals_ref, labels_ref,
                  inbuf, valbuf, idxbuf, labbuf, sem):
    cid = lax.axis_index("c")
    sid = lax.axis_index("s")
    wid = sid * NC + cid
    lanes = lax.iota(jnp.int32, 16)
    zf = jnp.zeros((16,), jnp.float32)
    zi = jnp.zeros((16,), jnp.int32)
    chunk_base = wid * CHUNK

    for b in range(B):
        def zero_body(i, _):
            valbuf[pl.ds(i * 16, 16)] = zf
            idxbuf[pl.ds(i * 16, 16)] = zi
            return 0

        lax.fori_loop(0, TCAP // 16, zero_body, 0)

        def blk_body(blk, off):
            base = chunk_base + blk * BLK
            pltpu.sync_copy(pred_ref.at[b, pl.ds(base, BLK)], inbuf)

            def j_body(j, off):
                v = inbuf[pl.ds(j * 16, 16)]
                gidx = base + j * 16 + lanes
                row = lax.shift_right_logical(gidx, 11)
                col = gidx & (L - 1)
                m = (v > THETA) & ((col - row) >= BAND)
                mi = m.astype(jnp.int32)
                csum = plsc.cumsum(mi)
                dest = jnp.clip(off + csum - 1, 0, TCAP - 1)
                plsc.store_scatter(valbuf, [dest], v, mask=m)
                plsc.store_scatter(idxbuf, [dest], gidx + b * LL, mask=m)
                return jnp.minimum(off + jnp.sum(mi), TCAP)

            return lax.fori_loop(0, BLK // 16, j_body, off)

        lax.fori_loop(0, NBLK, blk_body, jnp.int32(0))
        pltpu.sync_copy(valbuf, vals_ref.at[b, wid])
        pltpu.async_copy(tflat_ref.at[idxbuf], labbuf, sem).wait()
        pltpu.sync_copy(labbuf, labels_ref.at[b, wid])


def _compact(pred2d, tflat):
    run = pl.kernel(
        _compact_body,
        out_type=(
            jax.ShapeDtypeStruct((B, NW, TCAP), jnp.float32),
            jax.ShapeDtypeStruct((B, NW, TCAP), jnp.int32),
        ),
        mesh=plsc.VectorSubcoreMesh(
            core_axis_name="c", subcore_axis_name="s",
            num_cores=NC, num_subcores=NS),
        compiler_params=pltpu.CompilerParams(needs_layout_passes=False),
        scratch_types=[
            pltpu.VMEM((BLK,), jnp.float32),
            pltpu.VMEM((TCAP,), jnp.float32),
            pltpu.VMEM((TCAP,), jnp.int32),
            pltpu.VMEM((TCAP,), jnp.int32),
            pltpu.SemaphoreType.DMA,
        ],
    )
    return run(pred2d, tflat)


def _select_body(len_ref, vals_ref, labels_ref, out_ref):
    b = pl.program_id(0)

    @pl.when(b == 0)
    def _():
        out_ref[...] = jnp.zeros_like(out_ref)

    vbits = lax.bitcast_convert_type(vals_ref[0], jnp.int32)
    labf = labels_ref[0].astype(jnp.float32)
    length = len_ref[b]

    rows = lax.broadcasted_iota(jnp.int32, (8, 128), 0)
    cols = lax.broadcasted_iota(jnp.int32, (8, 128), 1)

    contrib = jnp.zeros((8, 128), jnp.float32)
    for di, div in enumerate((1, 2, 5)):
        k = length // div

        def s_body(_, lohi):
            lo, hi = lohi
            active = lo < hi
            mid = lo + lax.shift_right_logical(hi - lo, 1)
            cnt = jnp.sum((vbits > mid).astype(jnp.int32))
            below = cnt <= (k - 1)
            new_hi = jnp.where(active & below, mid, hi)
            new_lo = jnp.where(active & (~below), mid + 1, lo)
            return new_lo, new_hi

        lo, _ = lax.fori_loop(
            0, 31, s_body, (jnp.int32(0), jnp.int32(ONE_F32_BITS)))
        theta = lo
        gt = vbits > theta
        eq = vbits == theta
        n_gt = jnp.sum(gt.astype(jnp.float32))
        s_gt = jnp.sum(jnp.where(gt, labf, 0.0))
        m_eq = jnp.sum(eq.astype(jnp.float32))
        s_eq = jnp.sum(jnp.where(eq, labf, 0.0))
        kf = k.astype(jnp.float32)
        r = jnp.clip(kf - n_gt, 0.0, m_eq)
        corr = s_gt + jnp.where(
            m_eq > 0, r * s_eq / jnp.maximum(m_eq, 1.0), 0.0)
        sel = cols == di
        contrib = contrib + jnp.where(
            (rows == 0) & sel, corr, 0.0) + jnp.where(
            (rows == 1) & sel, kf, 0.0)

    out_ref[...] += contrib


def _select(sequence_lengths, vals, labels):
    return pl.pallas_call(
        _select_body,
        grid=(B,),
        in_specs=[
            pl.BlockSpec(memory_space=pltpu.SMEM),
            pl.BlockSpec((1, NW, TCAP), lambda b: (b, 0, 0)),
            pl.BlockSpec((1, NW, TCAP), lambda b: (b, 0, 0)),
        ],
        out_specs=pl.BlockSpec((8, 128), lambda b: (0, 0)),
        out_shape=jax.ShapeDtypeStruct((8, 128), jnp.float32),
    )(sequence_lengths, vals, labels)


def kernel(prediction, sequence_lengths, targets):
    pred2d = prediction.reshape(B, LL)
    tflat = targets.reshape(LL * B)

    sq, cnt = _loss_sums(prediction, targets)
    vals, labels = _compact(pred2d, tflat)
    sel = _select(sequence_lengths, vals, labels)

    contact_loss = sq[0, 0] / cnt[0, 0]
    p1 = sel[0, 0] / sel[1, 0]
    p2 = sel[0, 1] / sel[1, 1]
    p5 = sel[0, 2] / sel[1, 2]
    return (contact_loss, p1, p2, p5, prediction)

# --- scband reference (transcript-rebuilt; emitter-appended) ---
"""Pipeline reference for scband-pairwise-contact-prediction-head-2138893713964 (READ-ONLY COPY).

The authoritative reference and input builder live on the scoring server;
editing this copy changes nothing except your own understanding.
"""

import jax, jax.numpy as jnp
import numpy as np

B, L = 4, 2048
IGNORE_INDEX = -1


def setup_inputs(seed: int = 0) -> dict:
    key = jax.random.key(seed)
    k1, k2, k3 = jax.random.split(key, 3)
    prediction = jax.random.uniform(k1, (B, L, L), dtype=jnp.float32)
    sequence_lengths = jax.random.randint(k2, (B,), L // 2, L, dtype=jnp.int32)
    targets = jax.random.randint(k3, (B, L, L), 0, 2, dtype=jnp.int32)
    return {"prediction": prediction, "sequence_lengths": sequence_lengths, "targets": targets}


def _precision_at(sequence_lengths, prediction, labels, divisor):
    # no-grad metric in the original module
    valid_mask = labels != IGNORE_INDEX
    seqpos = jnp.arange(L)
    x_ind, y_ind = jnp.meshgrid(seqpos, seqpos, indexing='ij')
    valid_mask = valid_mask & (((y_ind - x_ind) >= 24)[None, :, :])
    vm = valid_mask.astype(prediction.dtype)
    lengths = sequence_lengths
    correct = jnp.float32(0.0)
    total = jnp.int32(0)
    kmax = L // divisor
    for i in range(prediction.shape[0]):
        k = lengths[i] // divisor
        masked_prob = (prediction[i] * vm[i]).reshape(-1)
        _, idx = jax.lax.top_k(masked_prob, kmax)
        selected = labels[i].reshape(-1)[idx]
        sel_mask = jnp.arange(kmax) < k
        correct = correct + jnp.where(sel_mask, selected, 0).sum().astype(jnp.float32)
        total = total + jnp.maximum(k, 0)
    return correct / total


def reference(prediction, sequence_lengths, targets):
    tgt = targets.astype(prediction.dtype)
    valid = tgt != IGNORE_INDEX
    sq = (prediction - tgt) ** 2
    contact_loss = jnp.sum(jnp.where(valid, sq, 0.0)) / jnp.sum(valid)
    p_at_l = _precision_at(sequence_lengths, prediction, targets, 1)
    p_at_l2 = _precision_at(sequence_lengths, prediction, targets, 2)
    p_at_l5 = _precision_at(sequence_lengths, prediction, targets, 5)
    return (contact_loss, p_at_l, p_at_l2, p_at_l5, prediction)

if __name__ == "__main__":
    import jax
    _d = setup_inputs()
    print(jax.jit(kernel)(*tuple(_d.values())))

</pallas_src>

<mosaic_0001>
#map = affine_map<(d0, d1) -> (0, 0)>
#map1 = affine_map<(d0, d1) -> (0)>
#map2 = affine_map<(d0, d1) -> (0, 0, 0)>
module attributes {stable_mosaic.version = 14 : i64} {
  func.func @_compact_body(%arg0: i32, %arg1: i32, %arg2: memref<4x4194304xf32, #tpu.memory_space<hbm>>, %arg3: memref<16777216xi32, #tpu.memory_space<hbm>>, %arg4: memref<4x32x4096xf32, #tpu.memory_space<hbm>>, %arg5: memref<4x32x4096xi32, #tpu.memory_space<hbm>>, %arg6: memref<8192xf32, #tpu.memory_space<vmem>>, %arg7: memref<4096xf32, #tpu.memory_space<vmem>>, %arg8: memref<4096xi32, #tpu.memory_space<vmem>>, %arg9: memref<4096xi32, #tpu.memory_space<vmem>>, %arg10: memref<!tpu.dma_semaphore, #tpu.memory_space<semaphore_mem>>) attributes {dimension_semantics = [#tpu.dimension_semantics<core_parallel>, #tpu.dimension_semantics<subcore_parallel>], iteration_bounds = array<i64: 2, 16>, scalar_prefetch = 0 : i64, scratch_operands = 5 : i64, tpu.core_type = #tpu.core_type<sc_vector_subcore>, window_params = [{transform_indices = #map}, {transform_indices = #map1}, {transform_indices = #map2}, {transform_indices = #map2}]} {
    %mul3A = arith.constant 2 : i32
    %mul3A_0 = arith.muli %arg1, %mul3A : i32
    %add3A = arith.addi %mul3A_0, %arg0 : i32
    %iota3A = tpu.iota {dimensions = array<i32: 0>} : vector<16xi32>
    %broadcast_in_dim3A = arith.constant 0.000000e+00 : f32
    %broadcast_in_dim3A_1 = vector.broadcast %broadcast_in_dim3A : f32 to vector<16xf32>
    %broadcast_in_dim3A_2 = arith.constant 0 : i32
    %broadcast_in_dim3A_3 = vector.broadcast %broadcast_in_dim3A_2 : i32 to vector<16xi32>
    %mul3A_4 = arith.constant 131072 : i32
    %mul3A_5 = arith.muli %add3A, %mul3A_4 : i32
    %scan3A = arith.constant 0 : i32
    %scan3A_6 = arith.constant 0 : i32
    %scan3A_7 = arith.constant 256 : i32
    %scan3A_8 = arith.addi %scan3A_6, %scan3A_7 : i32
    %scan3A_9 = arith.constant 1 : i32
    %scan3A_10 = scf.for %scan3A_82 = %scan3A_6 to %scan3A_8 step %scan3A_9 iter_args(%scan3A_83 = %scan3A) -> (i32)  : i32 {
      %mul3A_84 = arith.constant 16 : i32
      %mul3A_85 = arith.muli %scan3A_82, %mul3A_84 : i32
      %swap3A = arith.index_cast %mul3A_85 : i32 to index
      %swap3A_86 = tpu.vector_load %arg7[%swap3A] {strides = array<i32>} : memref<4096xf32, #tpu.memory_space<vmem>>, vector<16xf32>,
      tpu.vector_store %arg7[%swap3A], %broadcast_in_dim3A_1 {strides = array<i32>} : memref<4096xf32, #tpu.memory_space<vmem>>, vector<16xf32>,
      %mul3A_87 = arith.constant 16 : i32
      %mul3A_88 = arith.muli %scan3A_82, %mul3A_87 : i32
      %swap3A_89 = arith.index_cast %mul3A_88 : i32 to index
      %swap3A_90 = tpu.vector_load %arg8[%swap3A_89] {strides = array<i32>} : memref<4096xi32, #tpu.memory_space<vmem>>, vector<16xi32>,
      tpu.vector_store %arg8[%swap3A_89], %broadcast_in_dim3A_3 {strides = array<i32>} : memref<4096xi32, #tpu.memory_space<vmem>>, vector<16xi32>,
      %scan3A_91 = arith.constant 0 : i32
      scf.yield %scan3A_91 : i32
    }
    %scan3A_11 = arith.constant 256 : i32
    %scan3A_12 = arith.constant 0 : i32
    %scan3A_13 = arith.constant 0 : i32
    %scan3A_14 = arith.constant 16 : i32
    %scan3A_15 = arith.addi %scan3A_13, %scan3A_14 : i32
    %scan3A_16 = arith.constant 1 : i32
    %scan3A_17 = scf.for %scan3A_82 = %scan3A_13 to %scan3A_15 step %scan3A_16 iter_args(%scan3A_83 = %scan3A_12) -> (i32)  : i32 {
      %mul3A_84 = arith.constant 8192 : i32
      %mul3A_85 = arith.muli %scan3A_82, %mul3A_84 : i32
      %add3A_86 = arith.addi %mul3A_5, %mul3A_85 : i32
      %run_scoped3A_87 = arith.constant 0 : i32
      "tpu.region"() ({
        %run_scoped3A_94 = tpu.sem_alloc : memref<!tpu.dma_semaphore, #tpu.memory_space<semaphore_mem>>
        %dma_start3A_95 = tpu.memref_slice %arg2[%run_scoped3A_87, %add3A_86] : memref<4x4194304xf32, #tpu.memory_space<hbm>> -> memref<1x8192xf32, #tpu.memory_space<hbm>>
        %dma_start3A_96 = tpu.memref_squeeze %dma_start3A_95 : memref<1x8192xf32, #tpu.memory_space<hbm>> -> memref<8192xf32, #tpu.memory_space<hbm>>
        %dma_start3A_97 = tpu.memref_slice %arg2[%run_scoped3A_87, %add3A_86] : memref<4x4194304xf32, #tpu.memory_space<hbm>> -> memref<1x8192xf32, #tpu.memory_space<hbm>>
        %dma_start3A_98 = tpu.memref_squeeze %dma_start3A_97 : memref<1x8192xf32, #tpu.memory_space<hbm>> -> memref<8192xf32, #tpu.memory_space<hbm>>
        tpu.enqueue_dma source(%dma_start3A_98 : memref<8192xf32, #tpu.memory_space<hbm>>) target(%arg6 : memref<8192xf32, #tpu.memory_space<vmem>>) target_semaphore(%run_scoped3A_94 : memref<!tpu.dma_semaphore, #tpu.memory_space<semaphore_mem>>)
        %dma_wait3A_99 = tpu.memref_slice %arg2[%run_scoped3A_87, %add3A_86] : memref<4x4194304xf32, #tpu.memory_space<hbm>> -> memref<1x8192xf32, #tpu.memory_space<hbm>>
        %dma_wait3A_100 = tpu.memref_squeeze %dma_wait3A_99 : memref<1x8192xf32, #tpu.memory_space<hbm>> -> memref<8192xf32, #tpu.memory_space<hbm>>
        %dma_wait3A_101 = tpu.memref_slice %arg2[%run_scoped3A_87, %add3A_86] : memref<4x4194304xf32, #tpu.memory_space<hbm>> -> memref<1x8192xf32, #tpu.memory_space<hbm>>
        %dma_wait3A_102 = tpu.memref_squeeze %dma_wait3A_101 : memref<1x8192xf32, #tpu.memory_space<hbm>> -> memref<8192xf32, #tpu.memory_space<hbm>>
        tpu.wait_dma2 semaphore(%run_scoped3A_94 : memref<!tpu.dma_semaphore, #tpu.memory_space<semaphore_mem>>) src(%dma_wait3A_102 : memref<8192xf32, #tpu.memory_space<hbm>>) dst(%arg6 : memref<8192xf32, #tpu.memory_space<vmem>>)
        tpu.yield
      }) : () -> ()
      %scan3A_88 = arith.constant 0 : i32
      %scan3A_89 = arith.constant 512 : i32
      %scan3A_90 = arith.addi %scan3A_88, %scan3A_89 : i32
      %scan3A_91 = arith.constant 1 : i32
      %scan3A_92 = scf.for %scan3A_94 = %scan3A_88 to %scan3A_90 step %scan3A_91 iter_args(%scan3A_95 = %scan3A_83) -> (i32)  : i32 {
        %mul3A_96 = arith.constant 16 : i32
        %mul3A_97 = arith.muli %scan3A_94, %mul3A_96 : i32
        %get3A = arith.index_cast %mul3A_97 : i32 to index
        %get3A_98 = tpu.vector_load %arg6[%get3A] {strides = array<i32>} : memref<8192xf32, #tpu.memory_space<vmem>>, vector<16xf32>,
        %mul3A_99 = arith.constant 16 : i32
        %mul3A_100 = arith.muli %scan3A_94, %mul3A_99 : i32
        %add3A_101 = arith.addi %add3A_86, %mul3A_100 : i32
        %add3A_102 = vector.broadcast %add3A_101 : i32 to vector<16xi32>
        %add3A_103 = arith.addi %add3A_102, %iota3A : vector<16xi32>
        %shift_right_logical3A = arith.constant 11 : i32
        %shift_right_logical3A_104 = vector.broadcast %shift_right_logical3A : i32 to vector<16xi32>
        %shift_right_logical3A_105 = arith.shrui %add3A_103, %shift_right_logical3A_104 : vector<16xi32>
        %and3A = arith.constant 2047 : i32
        %and3A_106 = vector.broadcast %and3A : i32 to vector<16xi32>
        %and3A_107 = arith.andi %add3A_103, %and3A_106 : vector<16xi32>
        %gt3A = arith.constant 9.800000e-01 : f32
        %gt3A_108 = vector.broadcast %gt3A : f32 to vector<16xf32>
        %gt3A_109 = arith.cmpf ogt, %get3A_98, %gt3A_108 : vector<16xf32>
        %sub3A = arith.subi %and3A_107, %shift_right_logical3A_105 : vector<16xi32>
        %ge3A = arith.constant 24 : i32
        %ge3A_110 = vector.broadcast %ge3A : i32 to vector<16xi32>
        %ge3A_111 = arith.cmpi sge, %sub3A, %ge3A_110 : vector<16xi32>
        %and3A_112 = arith.andi %gt3A_109, %ge3A_111 : vector<16xi1>
        %convert_element_type3A = arith.extui %and3A_112 : vector<16xi1> to vector<16xi32>
        %broadcast_in_dim3A_113 = arith.constant true
        %broadcast_in_dim3A_114 = vector.broadcast %broadcast_in_dim3A_113 : i1 to vector<16xi1>
        %masked_cumsum3A = tpu.scan <sum>, %convert_element_type3A masked %broadcast_in_dim3A_114 : vector<16xi32>, vector<16xi1> -> vector<16xi32>
        %add3A_115 = vector.broadcast %scan3A_95 : i32 to vector<16xi32>
        %add3A_116 = arith.addi %add3A_115, %masked_cumsum3A : vector<16xi32>
        %sub3A_117 = arith.constant 1 : i32
        %sub3A_118 = vector.broadcast %sub3A_117 : i32 to vector<16xi32>
        %sub3A_119 = arith.subi %add3A_116, %sub3A_118 : vector<16xi32>
        %jit3A = arith.constant 0 : i32
        %jit3A_120 = arith.constant 4095 : i32
        %max3A = vector.broadcast %jit3A : i32 to vector<16xi32>
        %max3A_121 = arith.maxsi %max3A, %sub3A_119 : vector<16xi32>
        %min3A = vector.broadcast %jit3A_120 : i32 to vector<16xi32>
        %min3A_122 = arith.minsi %min3A, %max3A_121 : vector<16xi32>
        tpu.vector_store_idx %arg7[%min3A_122], %get3A_98 masked %and3A_112 : memref<4096xf32, #tpu.memory_space<vmem>>[vector<16xi32>], vector<16xf32>, vector<16xi1>
        %add3A_123 = arith.constant 0 : i32
        %add3A_124 = vector.broadcast %add3A_123 : i32 to vector<16xi32>
        %add3A_125 = arith.addi %add3A_103, %add3A_124 : vector<16xi32>
        tpu.vector_store_idx %arg8[%min3A_122], %add3A_125 masked %and3A_112 : memref<4096xi32, #tpu.memory_space<vmem>>[vector<16xi32>], vector<16xi32>, vector<16xi1>
        %reduce_sum3A = arith.constant true
        %reduce_sum3A_126 = vector.broadcast %reduce_sum3A : i1 to vector<16xi1>
        %reduce_sum3A_127 = tpu.scan <sum>, %convert_element_type3A masked %reduce_sum3A_126 : vector<16xi32>, vector<16xi1> -> vector<16xi32>
        %reduce_sum3A_128 = vector.extract %reduce_sum3A_127[15] : i32 from vector<16xi32>
        %add3A_129 = arith.addi %scan3A_95, %reduce_sum3A_128 : i32
        %min3A_130 = arith.constant 4096 : i32
        %min3A_131 = arith.minsi %add3A_129, %min3A_130 : i32
        scf.yield %min3A_131 : i32
      }
      %scan3A_93 = arith.constant 512 : i32
      scf.yield %scan3A_92 : i32
    }
    %scan3A_18 = arith.constant 16 : i32
    %run_scoped3A = arith.constant 0 : i32
    "tpu.region"() ({
      %run_scoped3A_82 = tpu.sem_alloc : memref<!tpu.dma_semaphore, #tpu.memory_space<semaphore_mem>>
      %dma_start3A_83 = arith.constant 0 : i32
      %dma_start3A_84 = tpu.memref_slice %arg4[%run_scoped3A, %add3A, %dma_start3A_83] : memref<4x32x4096xf32, #tpu.memory_space<hbm>> -> memref<1x1x4096xf32, #tpu.memory_space<hbm>>
      %dma_start3A_85 = tpu.memref_squeeze %dma_start3A_84 : memref<1x1x4096xf32, #tpu.memory_space<hbm>> -> memref<4096xf32, #tpu.memory_space<hbm>>
      %dma_start3A_86 = arith.constant 0 : i32
      %dma_start3A_87 = tpu.memref_slice %arg4[%run_scoped3A, %add3A, %dma_start3A_86] : memref<4x32x4096xf32, #tpu.memory_space<hbm>> -> memref<1x1x4096xf32, #tpu.memory_space<hbm>>
      %dma_start3A_88 = tpu.memref_squeeze %dma_start3A_87 : memref<1x1x4096xf32, #tpu.memory_space<hbm>> -> memref<4096xf32, #tpu.memory_space<hbm>>
      tpu.enqueue_dma source(%arg7 : memref<4096xf32, #tpu.memory_space<vmem>>) target(%dma_start3A_88 : memref<4096xf32, #tpu.memory_space<hbm>>) target_semaphore(%run_scoped3A_82 : memref<!tpu.dma_semaphore, #tpu.memory_space<semaphore_mem>>)
      %dma_wait3A_89 = arith.constant 0 : i32
      %dma_wait3A_90 = tpu.memref_slice %arg4[%run_scoped3A, %add3A, %dma_wait3A_89] : memref<4x32x4096xf32, #tpu.memory_space<hbm>> -> memref<1x1x4096xf32, #tpu.memory_space<hbm>>
      %dma_wait3A_91 = tpu.memref_squeeze %dma_wait3A_90 : memref<1x1x4096xf32, #tpu.memory_space<hbm>> -> memref<4096xf32, #tpu.memory_space<hbm>>
      %dma_wait3A_92 = arith.constant 0 : i32
      %dma_wait3A_93 = tpu.memref_slice %arg4[%run_scoped3A, %add3A, %dma_wait3A_92] : memref<4x32x4096xf32, #tpu.memory_space<hbm>> -> memref<1x1x4096xf32, #tpu.memory_space<hbm>>
      %dma_wait3A_94 = tpu.memref_squeeze %dma_wait3A_93 : memref<1x1x4096xf32, #tpu.memory_space<hbm>> -> memref<4096xf32, #tpu.memory_space<hbm>>
      tpu.wait_dma2 semaphore(%run_scoped3A_82 : memref<!tpu.dma_semaphore, #tpu.memory_space<semaphore_mem>>) src(%arg7 : memref<4096xf32, #tpu.memory_space<vmem>>) dst(%dma_wait3A_94 : memref<4096xf32, #tpu.memory_space<hbm>>)
      tpu.yield
    }) : () -> ()
    %dma_start3A = arith.constant 0 : i32
    %dma_start3A_19 = tpu.memref_slice %arg3[%dma_start3A] : memref<16777216xi32, #tpu.memory_space<hbm>> -> memref<16777216xi32, #tpu.memory_space<hbm>>
    tpu.enqueue_indirect_dma source(%dma_start3A_19 : memref<16777216xi32, #tpu.memory_space<hbm>>) target(%arg9 : memref<4096xi32, #tpu.memory_space<vmem>>) offsets(%arg8 : memref<4096xi32, #tpu.memory_space<vmem>>) semaphore(%arg10 : memref<!tpu.dma_semaphore, #tpu.memory_space<semaphore_mem>>)
    %dma_wait3A = arith.constant 0 : i32
    %dma_wait3A_20 = tpu.memref_slice %arg3[%dma_wait3A] : memref<16777216xi32, #tpu.memory_space<hbm>> -> memref<16777216xi32, #tpu.memory_space<hbm>>
    tpu.wait_indirect_dma semaphore(%arg10 : memref<!tpu.dma_semaphore, #tpu.memory_space<semaphore_mem>>) src(%dma_wait3A_20 : memref<16777216xi32, #tpu.memory_space<hbm>>) dst(%arg9 : memref<4096xi32, #tpu.memory_space<vmem>>)
    %run_scoped3A_21 = arith.constant 0 : i32
    "tpu.region"() ({
      %run_scoped3A_82 = tpu.sem_alloc : memref<!tpu.dma_semaphore, #tpu.memory_space<semaphore_mem>>
      %dma_start3A_83 = arith.constant 0 : i32
      %dma_start3A_84 = tpu.memref_slice %arg5[%run_scoped3A_21, %add3A, %dma_start3A_83] : memref<4x32x4096xi32, #tpu.memory_space<hbm>> -> memref<1x1x4096xi32, #tpu.memory_space<hbm>>
      %dma_start3A_85 = tpu.memref_squeeze %dma_start3A_84 : memref<1x1x4096xi32, #tpu.memory_space<hbm>> -> memref<4096xi32, #tpu.memory_space<hbm>>
      %dma_start3A_86 = arith.constant 0 : i32
      %dma_start3A_87 = tpu.memref_slice %arg5[%run_scoped3A_21, %add3A, %dma_start3A_86] : memref<4x32x4096xi32, #tpu.memory_space<hbm>> -> memref<1x1x4096xi32, #tpu.memory_space<hbm>>
      %dma_start3A_88 = tpu.memref_squeeze %dma_start3A_87 : memref<1x1x4096xi32, #tpu.memory_space<hbm>> -> memref<4096xi32, #tpu.memory_space<hbm>>
      tpu.enqueue_dma source(%arg9 : memref<4096xi32, #tpu.memory_space<vmem>>) target(%dma_start3A_88 : memref<4096xi32, #tpu.memory_space<hbm>>) target_semaphore(%run_scoped3A_82 : memref<!tpu.dma_semaphore, #tpu.memory_space<semaphore_mem>>)
      %dma_wait3A_89 = arith.constant 0 : i32
      %dma_wait3A_90 = tpu.memref_slice %arg5[%run_scoped3A_21, %add3A, %dma_wait3A_89] : memref<4x32x4096xi32, #tpu.memory_space<hbm>> -> memref<1x1x4096xi32, #tpu.memory_space<hbm>>
      %dma_wait3A_91 = tpu.memref_squeeze %dma_wait3A_90 : memref<1x1x4096xi32, #tpu.memory_space<hbm>> -> memref<4096xi32, #tpu.memory_space<hbm>>
      %dma_wait3A_92 = arith.constant 0 : i32
      %dma_wait3A_93 = tpu.memref_slice %arg5[%run_scoped3A_21, %add3A, %dma_wait3A_92] : memref<4x32x4096xi32, #tpu.memory_space<hbm>> -> memref<1x1x4096xi32, #tpu.memory_space<hbm>>
      %dma_wait3A_94 = tpu.memref_squeeze %dma_wait3A_93 : memref<1x1x4096xi32, #tpu.memory_space<hbm>> -> memref<4096xi32, #tpu.memory_space<hbm>>
      tpu.wait_dma2 semaphore(%run_scoped3A_82 : memref<!tpu.dma_semaphore, #tpu.memory_space<semaphore_mem>>) src(%arg9 : memref<4096xi32, #tpu.memory_space<vmem>>) dst(%dma_wait3A_94 : memref<4096xi32, #tpu.memory_space<hbm>>)
      tpu.yield
    }) : () -> ()
    %scan3A_22 = arith.constant 0 : i32
    %scan3A_23 = arith.constant 0 : i32
    %scan3A_24 = arith.constant 256 : i32
    %scan3A_25 = arith.addi %scan3A_23, %scan3A_24 : i32
    %scan3A_26 = arith.constant 1 : i32
    %scan3A_27 = scf.for %scan3A_82 = %scan3A_23 to %scan3A_25 step %scan3A_26 iter_args(%scan3A_83 = %scan3A_22) -> (i32)  : i32 {
      %mul3A_84 = arith.constant 16 : i32
      %mul3A_85 = arith.muli %scan3A_82, %mul3A_84 : i32
      %swap3A = arith.index_cast %mul3A_85 : i32 to index
      %swap3A_86 = tpu.vector_load %arg7[%swap3A] {strides = array<i32>} : memref<4096xf32, #tpu.memory_space<vmem>>, vector<16xf32>,
      tpu.vector_store %arg7[%swap3A], %broadcast_in_dim3A_1 {strides = array<i32>} : memref<4096xf32, #tpu.memory_space<vmem>>, vector<16xf32>,
      %mul3A_87 = arith.constant 16 : i32
      %mul3A_88 = arith.muli %scan3A_82, %mul3A_87 : i32
      %swap3A_89 = arith.index_cast %mul3A_88 : i32 to index
      %swap3A_90 = tpu.vector_load %arg8[%swap3A_89] {strides = array<i32>} : memref<4096xi32, #tpu.memory_space<vmem>>, vector<16xi32>,
      tpu.vector_store %arg8[%swap3A_89], %broadcast_in_dim3A_3 {strides = array<i32>} : memref<4096xi32, #tpu.memory_space<vmem>>, vector<16xi32>,
      %scan3A_91 = arith.constant 0 : i32
      scf.yield %scan3A_91 : i32
    }
    %scan3A_28 = arith.constant 256 : i32
    %scan3A_29 = arith.constant 0 : i32
    %scan3A_30 = arith.constant 0 : i32
    %scan3A_31 = arith.constant 16 : i32
    %scan3A_32 = arith.addi %scan3A_30, %scan3A_31 : i32
    %scan3A_33 = arith.constant 1 : i32
    %scan3A_34 = scf.for %scan3A_82 = %scan3A_30 to %scan3A_32 step %scan3A_33 iter_args(%scan3A_83 = %scan3A_29) -> (i32)  : i32 {
      %mul3A_84 = arith.constant 8192 : i32
      %mul3A_85 = arith.muli %scan3A_82, %mul3A_84 : i32
      %add3A_86 = arith.addi %mul3A_5, %mul3A_85 : i32
      %run_scoped3A_87 = arith.constant 1 : i32
      "tpu.region"() ({
        %run_scoped3A_94 = tpu.sem_alloc : memref<!tpu.dma_semaphore, #tpu.memory_space<semaphore_mem>>
        %dma_start3A_95 = tpu.memref_slice %arg2[%run_scoped3A_87, %add3A_86] : memref<4x4194304xf32, #tpu.memory_space<hbm>> -> memref<1x8192xf32, #tpu.memory_space<hbm>>
        %dma_start3A_96 = tpu.memref_squeeze %dma_start3A_95 : memref<1x8192xf32, #tpu.memory_space<hbm>> -> memref<8192xf32, #tpu.memory_space<hbm>>
        %dma_start3A_97 = tpu.memref_slice %arg2[%run_scoped3A_87, %add3A_86] : memref<4x4194304xf32, #tpu.memory_space<hbm>> -> memref<1x8192xf32, #tpu.memory_space<hbm>>
        %dma_start3A_98 = tpu.memref_squeeze %dma_start3A_97 : memref<1x8192xf32, #tpu.memory_space<hbm>> -> memref<8192xf32, #tpu.memory_space<hbm>>
        tpu.enqueue_dma source(%dma_start3A_98 : memref<8192xf32, #tpu.memory_space<hbm>>) target(%arg6 : memref<8192xf32, #tpu.memory_space<vmem>>) target_semaphore(%run_scoped3A_94 : memref<!tpu.dma_semaphore, #tpu.memory_space<semaphore_mem>>)
        %dma_wait3A_99 = tpu.memref_slice %arg2[%run_scoped3A_87, %add3A_86] : memref<4x4194304xf32, #tpu.memory_space<hbm>> -> memref<1x8192xf32, #tpu.memory_space<hbm>>
        %dma_wait3A_100 = tpu.memref_squeeze %dma_wait3A_99 : memref<1x8192xf32, #tpu.memory_space<hbm>> -> memref<8192xf32, #tpu.memory_space<hbm>>
        %dma_wait3A_101 = tpu.memref_slice %arg2[%run_scoped3A_87, %add3A_86] : memref<4x4194304xf32, #tpu.memory_space<hbm>> -> memref<1x8192xf32, #tpu.memory_space<hbm>>
        %dma_wait3A_102 = tpu.memref_squeeze %dma_wait3A_101 : memref<1x8192xf32, #tpu.memory_space<hbm>> -> memref<8192xf32, #tpu.memory_space<hbm>>
        tpu.wait_dma2 semaphore(%run_scoped3A_94 : memref<!tpu.dma_semaphore, #tpu.memory_space<semaphore_mem>>) src(%dma_wait3A_102 : memref<8192xf32, #tpu.memory_space<hbm>>) dst(%arg6 : memref<8192xf32, #tpu.memory_space<vmem>>)
        tpu.yield
      }) : () -> ()
      %scan3A_88 = arith.constant 0 : i32
      %scan3A_89 = arith.constant 512 : i32
      %scan3A_90 = arith.addi %scan3A_88, %scan3A_89 : i32
      %scan3A_91 = arith.constant 1 : i32
      %scan3A_92 = scf.for %scan3A_94 = %scan3A_88 to %scan3A_90 step %scan3A_91 iter_args(%scan3A_95 = %scan3A_83) -> (i32)  : i32 {
        %mul3A_96 = arith.constant 16 : i32
        %mul3A_97 = arith.muli %scan3A_94, %mul3A_96 : i32
        %get3A = arith.index_cast %mul3A_97 : i32 to index
        %get3A_98 = tpu.vector_load %arg6[%get3A] {strides = array<i32>} : memref<8192xf32, #tpu.memory_space<vmem>>, vector<16xf32>,
        %mul3A_99 = arith.constant 16 : i32
        %mul3A_100 = arith.muli %scan3A_94, %mul3A_99 : i32
        %add3A_101 = arith.addi %add3A_86, %mul3A_100 : i32
        %add3A_102 = vector.broadcast %add3A_101 : i32 to vector<16xi32>
        %add3A_103 = arith.addi %add3A_102, %iota3A : vector<16xi32>
        %shift_right_logical3A = arith.constant 11 : i32
        %shift_right_logical3A_104 = vector.broadcast %shift_right_logical3A : i32 to vector<16xi32>
        %shift_right_logical3A_105 = arith.shrui %add3A_103, %shift_right_logical3A_104 : vector<16xi32>
        %and3A = arith.constant 2047 : i32
        %and3A_106 = vector.broadcast %and3A : i32 to vector<16xi32>
        %and3A_107 = arith.andi %add3A_103, %and3A_106 : vector<16xi32>
        %gt3A = arith.constant 9.800000e-01 : f32
        %gt3A_108 = vector.broadcast %gt3A : f32 to vector<16xf32>
        %gt3A_109 = arith.cmpf ogt, %get3A_98, %gt3A_108 : vector<16xf32>
        %sub3A = arith.subi %and3A_107, %shift_right_logical3A_105 : vector<16xi32>
        %ge3A = arith.constant 24 : i32
        %ge3A_110 = vector.broadcast %ge3A : i32 to vector<16xi32>
        %ge3A_111 = arith.cmpi sge, %sub3A, %ge3A_110 : vector<16xi32>
        %and3A_112 = arith.andi %gt3A_109, %ge3A_111 : vector<16xi1>
        %convert_element_type3A = arith.extui %and3A_112 : vector<16xi1> to vector<16xi32>
        %broadcast_in_dim3A_113 = arith.constant true
        %broadcast_in_dim3A_114 = vector.broadcast %broadcast_in_dim3A_113 : i1 to vector<16xi1>
        %masked_cumsum3A = tpu.scan <sum>, %convert_element_type3A masked %broadcast_in_dim3A_114 : vector<16xi32>, vector<16xi1> -> vector<16xi32>
        %add3A_115 = vector.broadcast %scan3A_95 : i32 to vector<16xi32>
        %add3A_116 = arith.addi %add3A_115, %masked_cumsum3A : vector<16xi32>
        %sub3A_117 = arith.constant 1 : i32
        %sub3A_118 = vector.broadcast %sub3A_117 : i32 to vector<16xi32>
        %sub3A_119 = arith.subi %add3A_116, %sub3A_118 : vector<16xi32>
        %jit3A = arith.constant 0 : i32
        %jit3A_120 = arith.constant 4095 : i32
        %max3A = vector.broadcast %jit3A : i32 to vector<16xi32>
        %max3A_121 = arith.maxsi %max3A, %sub3A_119 : vector<16xi32>
        %min3A = vector.broadcast %jit3A_120 : i32 to vector<16xi32>
        %min3A_122 = arith.minsi %min3A, %max3A_121 : vector<16xi32>
        tpu.vector_store_idx %arg7[%min3A_122], %get3A_98 masked %and3A_112 : memref<4096xf32, #tpu.memory_space<vmem>>[vector<16xi32>], vector<16xf32>, vector<16xi1>
        %add3A_123 = arith.constant 4194304 : i32
        %add3A_124 = vector.broadcast %add3A_123 : i32 to vector<16xi32>
        %add3A_125 = arith.addi %add3A_103, %add3A_124 : vector<16xi32>
        tpu.vector_store_idx %arg8[%min3A_122], %add3A_125 masked %and3A_112 : memref<4096xi32, #tpu.memory_space<vmem>>[vector<16xi32>], vector<16xi32>, vector<16xi1>
        %reduce_sum3A = arith.constant true
        %reduce_sum3A_126 = vector.broadcast %reduce_sum3A : i1 to vector<16xi1>
        %reduce_sum3A_127 = tpu.scan <sum>, %convert_element_type3A masked %reduce_sum3A_126 : vector<16xi32>, vector<16xi1> -> vector<16xi32>
        %reduce_sum3A_128 = vector.extract %reduce_sum3A_127[15] : i32 from vector<16xi32>
        %add3A_129 = arith.addi %scan3A_95, %reduce_sum3A_128 : i32
        %min3A_130 = arith.constant 4096 : i32
        %min3A_131 = arith.minsi %add3A_129, %min3A_130 : i32
        scf.yield %min3A_131 : i32
      }
      %scan3A_93 = arith.constant 512 : i32
      scf.yield %scan3A_92 : i32
    }
    %scan3A_35 = arith.constant 16 : i32
    %run_scoped3A_36 = arith.constant 1 : i32
    "tpu.region"() ({
      %run_scoped3A_82 = tpu.sem_alloc : memref<!tpu.dma_semaphore, #tpu.memory_space<semaphore_mem>>
      %dma_start3A_83 = arith.constant 0 : i32
      %dma_start3A_84 = tpu.memref_slice %arg4[%run_scoped3A_36, %add3A, %dma_start3A_83] : memref<4x32x4096xf32, #tpu.memory_space<hbm>> -> memref<1x1x4096xf32, #tpu.memory_space<hbm>>
      %dma_start3A_85 = tpu.memref_squeeze %dma_start3A_84 : memref<1x1x4096xf32, #tpu.memory_space<hbm>> -> memref<4096xf32, #tpu.memory_space<hbm>>
      %dma_start3A_86 = arith.constant 0 : i32
      %dma_start3A_87 = tpu.memref_slice %arg4[%run_scoped3A_36, %add3A, %dma_start3A_86] : memref<4x32x4096xf32, #tpu.memory_space<hbm>> -> memref<1x1x4096xf32, #tpu.memory_space<hbm>>
      %dma_start3A_88 = tpu.memref_squeeze %dma_start3A_87 : memref<1x1x4096xf32, #tpu.memory_space<hbm>> -> memref<4096xf32, #tpu.memory_space<hbm>>
      tpu.enqueue_dma source(%arg7 : memref<4096xf32, #tpu.memory_space<vmem>>) target(%dma_start3A_88 : memref<4096xf32, #tpu.memory_space<hbm>>) target_semaphore(%run_scoped3A_82 : memref<!tpu.dma_semaphore, #tpu.memory_space<semaphore_mem>>)
      %dma_wait3A_89 = arith.constant 0 : i32
      %dma_wait3A_90 = tpu.memref_slice %arg4[%run_scoped3A_36, %add3A, %dma_wait3A_89] : memref<4x32x4096xf32, #tpu.memory_space<hbm>> -> memref<1x1x4096xf32, #tpu.memory_space<hbm>>
      %dma_wait3A_91 = tpu.memref_squeeze %dma_wait3A_90 : memref<1x1x4096xf32, #tpu.memory_space<hbm>> -> memref<4096xf32, #tpu.memory_space<hbm>>
      %dma_wait3A_92 = arith.constant 0 : i32
      %dma_wait3A_93 = tpu.memref_slice %arg4[%run_scoped3A_36, %add3A, %dma_wait3A_92] : memref<4x32x4096xf32, #tpu.memory_space<hbm>> -> memref<1x1x4096xf32, #tpu.memory_space<hbm>>
      %dma_wait3A_94 = tpu.memref_squeeze %dma_wait3A_93 : memref<1x1x4096xf32, #tpu.memory_space<hbm>> -> memref<4096xf32, #tpu.memory_space<hbm>>
      tpu.wait_dma2 semaphore(%run_scoped3A_82 : memref<!tpu.dma_semaphore, #tpu.memory_space<semaphore_mem>>) src(%arg7 : memref<4096xf32, #tpu.memory_space<vmem>>) dst(%dma_wait3A_94 : memref<4096xf32, #tpu.memory_space<hbm>>)
      tpu.yield
    }) : () -> ()
    %dma_start3A_37 = arith.constant 0 : i32
    %dma_start3A_38 = tpu.memref_slice %arg3[%dma_start3A_37] : memref<16777216xi32, #tpu.memory_space<hbm>> -> memref<16777216xi32, #tpu.memory_space<hbm>>
    tpu.enqueue_indirect_dma source(%dma_start3A_38 : memref<16777216xi32, #tpu.memory_space<hbm>>) target(%arg9 : memref<4096xi32, #tpu.memory_space<vmem>>) offsets(%arg8 : memref<4096xi32, #tpu.memory_space<vmem>>) semaphore(%arg10 : memref<!tpu.dma_semaphore, #tpu.memory_space<semaphore_mem>>)
    %dma_wait3A_39 = arith.constant 0 : i32
    %dma_wait3A_40 = tpu.memref_slice %arg3[%dma_wait3A_39] : memref<16777216xi32, #tpu.memory_space<hbm>> -> memref<16777216xi32, #tpu.memory_space<hbm>>
    tpu.wait_indirect_dma semaphore(%arg10 : memref<!tpu.dma_semaphore, #tpu.memory_space<semaphore_mem>>) src(%dma_wait3A_40 : memref<16777216xi32, #tpu.memory_space<hbm>>) dst(%arg9 : memref<4096xi32, #tpu.memory_space<vmem>>)
    %run_scoped3A_41 = arith.constant 1 : i32
    "tpu.region"() ({
      %run_scoped3A_82 = tpu.sem_alloc : memref<!tpu.dma_semaphore, #tpu.memory_space<semaphore_mem>>
      %dma_start3A_83 = arith.constant 0 : i32
      %dma_start3A_84 = tpu.memref_slice %arg5[%run_scoped3A_41, %add3A, %dma_start3A_83] : memref<4x32x4096xi32, #tpu.memory_space<hbm>> -> memref<1x1x4096xi32, #tpu.memory_space<hbm>>
      %dma_start3A_85 = tpu.memref_squeeze %dma_start3A_84 : memref<1x1x4096xi32, #tpu.memory_space<hbm>> -> memref<4096xi32, #tpu.memory_space<hbm>>
      %dma_start3A_86 = arith.constant 0 : i32
      %dma_start3A_87 = tpu.memref_slice %arg5[%run_scoped3A_41, %add3A, %dma_start3A_86] : memref<4x32x4096xi32, #tpu.memory_space<hbm>> -> memref<1x1x4096xi32, #tpu.memory_space<hbm>>
      %dma_start3A_88 = tpu.memref_squeeze %dma_start3A_87 : memref<1x1x4096xi32, #tpu.memory_space<hbm>> -> memref<4096xi32, #tpu.memory_space<hbm>>
      tpu.enqueue_dma source(%arg9 : memref<4096xi32, #tpu.memory_space<vmem>>) target(%dma_start3A_88 : memref<4096xi32, #tpu.memory_space<hbm>>) target_semaphore(%run_scoped3A_82 : memref<!tpu.dma_semaphore, #tpu.memory_space<semaphore_mem>>)
      %dma_wait3A_89 = arith.constant 0 : i32
      %dma_wait3A_90 = tpu.memref_slice %arg5[%run_scoped3A_41, %add3A, %dma_wait3A_89] : memref<4x32x4096xi32, #tpu.memory_space<hbm>> -> memref<1x1x4096xi32, #tpu.memory_space<hbm>>
      %dma_wait3A_91 = tpu.memref_squeeze %dma_wait3A_90 : memref<1x1x4096xi32, #tpu.memory_space<hbm>> -> memref<4096xi32, #tpu.memory_space<hbm>>
      %dma_wait3A_92 = arith.constant 0 : i32
      %dma_wait3A_93 = tpu.memref_slice %arg5[%run_scoped3A_41, %add3A, %dma_wait3A_92] : memref<4x32x4096xi32, #tpu.memory_space<hbm>> -> memref<1x1x4096xi32, #tpu.memory_space<hbm>>
      %dma_wait3A_94 = tpu.memref_squeeze %dma_wait3A_93 : memref<1x1x4096xi32, #tpu.memory_space<hbm>> -> memref<4096xi32, #tpu.memory_space<hbm>>
      tpu.wait_dma2 semaphore(%run_scoped3A_82 : memref<!tpu.dma_semaphore, #tpu.memory_space<semaphore_mem>>) src(%arg9 : memref<4096xi32, #tpu.memory_space<vmem>>) dst(%dma_wait3A_94 : memref<4096xi32, #tpu.memory_space<hbm>>)
      tpu.yield
    }) : () -> ()
    %scan3A_42 = arith.constant 0 : i32
    %scan3A_43 = arith.constant 0 : i32
    %scan3A_44 = arith.constant 256 : i32
    %scan3A_45 = arith.addi %scan3A_43, %scan3A_44 : i32
    %scan3A_46 = arith.constant 1 : i32
    %scan3A_47 = scf.for %scan3A_82 = %scan3A_43 to %scan3A_45 step %scan3A_46 iter_args(%scan3A_83 = %scan3A_42) -> (i32)  : i32 {
      %mul3A_84 = arith.constant 16 : i32
      %mul3A_85 = arith.muli %scan3A_82, %mul3A_84 : i32
      %swap3A = arith.index_cast %mul3A_85 : i32 to index
      %swap3A_86 = tpu.vector_load %arg7[%swap3A] {strides = array<i32>} : memref<4096xf32, #tpu.memory_space<vmem>>, vector<16xf32>,
      tpu.vector_store %arg7[%swap3A], %broadcast_in_dim3A_1 {strides = array<i32>} : memref<4096xf32, #tpu.memory_space<vmem>>, vector<16xf32>,
      %mul3A_87 = arith.constant 16 : i32
      %mul3A_88 = arith.muli %scan3A_82, %mul3A_87 : i32
      %swap3A_89 = arith.index_cast %mul3A_88 : i32 to index
      %swap3A_90 = tpu.vector_load %arg8[%swap3A_89] {strides = array<i32>} : memref<4096xi32, #tpu.memory_space<vmem>>, vector<16xi32>,
      tpu.vector_store %arg8[%swap3A_89], %broadcast_in_dim3A_3 {strides = array<i32>} : memref<4096xi32, #tpu.memory_space<vmem>>, vector<16xi32>,
      %scan3A_91 = arith.constant 0 : i32
      scf.yield %scan3A_91 : i32
    }
    %scan3A_48 = arith.constant 256 : i32
    %scan3A_49 = arith.constant 0 : i32
    %scan3A_50 = arith.constant 0 : i32
    %scan3A_51 = arith.constant 16 : i32
    %scan3A_52 = arith.addi %scan3A_50, %scan3A_51 : i32
    %scan3A_53 = arith.constant 1 : i32
    %scan3A_54 = scf.for %scan3A_82 = %scan3A_50 to %scan3A_52 step %scan3A_53 iter_args(%scan3A_83 = %scan3A_49) -> (i32)  : i32 {
      %mul3A_84 = arith.constant 8192 : i32
      %mul3A_85 = arith.muli %scan3A_82, %mul3A_84 : i32
      %add3A_86 = arith.addi %mul3A_5, %mul3A_85 : i32
      %run_scoped3A_87 = arith.constant 2 : i32
      "tpu.region"() ({
        %run_scoped3A_94 = tpu.sem_alloc : memref<!tpu.dma_semaphore, #tpu.memory_space<semaphore_mem>>
        %dma_start3A_95 = tpu.memref_slice %arg2[%run_scoped3A_87, %add3A_86] : memref<4x4194304xf32, #tpu.memory_space<hbm>> -> memref<1x8192xf32, #tpu.memory_space<hbm>>
        %dma_start3A_96 = tpu.memref_squeeze %dma_start3A_95 : memref<1x8192xf32, #tpu.memory_space<hbm>> -> memref<8192xf32, #tpu.memory_space<hbm>>
        %dma_start3A_97 = tpu.memref_slice %arg2[%run_scoped3A_87, %add3A_86] : memref<4x4194304xf32, #tpu.memory_space<hbm>> -> memref<1x8192xf32, #tpu.memory_space<hbm>>
        %dma_start3A_98 = tpu.memref_squeeze %dma_start3A_97 : memref<1x8192xf32, #tpu.memory_space<hbm>> -> memref<8192xf32, #tpu.memory_space<hbm>>
        tpu.enqueue_dma source(%dma_start3A_98 : memref<8192xf32, #tpu.memory_space<hbm>>) target(%arg6 : memref<8192xf32, #tpu.memory_space<vmem>>) target_semaphore(%run_scoped3A_94 : memref<!tpu.dma_semaphore, #tpu.memory_space<semaphore_mem>>)
        %dma_wait3A_99 = tpu.memref_slice %arg2[%run_scoped3A_87, %add3A_86] : memref<4x4194304xf32, #tpu.memory_space<hbm>> -> memref<1x8192xf32, #tpu.memory_space<hbm>>
        %dma_wait3A_100 = tpu.memref_squeeze %dma_wait3A_99 : memref<1x8192xf32, #tpu.memory_space<hbm>> -> memref<8192xf32, #tpu.memory_space<hbm>>
        %dma_wait3A_101 = tpu.memref_slice %arg2[%run_scoped3A_87, %add3A_86] : memref<4x4194304xf32, #tpu.memory_space<hbm>> -> memref<1x8192xf32, #tpu.memory_space<hbm>>
        %dma_wait3A_102 = tpu.memref_squeeze %dma_wait3A_101 : memref<1x8192xf32, #tpu.memory_space<hbm>> -> memref<8192xf32, #tpu.memory_space<hbm>>
        tpu.wait_dma2 semaphore(%run_scoped3A_94 : memref<!tpu.dma_semaphore, #tpu.memory_space<semaphore_mem>>) src(%dma_wait3A_102 : memref<8192xf32, #tpu.memory_space<hbm>>) dst(%arg6 : memref<8192xf32, #tpu.memory_space<vmem>>)
        tpu.yield
      }) : () -> ()
      %scan3A_88 = arith.constant 0 : i32
      %scan3A_89 = arith.constant 512 : i32
      %scan3A_90 = arith.addi %scan3A_88, %scan3A_89 : i32
      %scan3A_91 = arith.constant 1 : i32
      %scan3A_92 = scf.for %scan3A_94 = %scan3A_88 to %scan3A_90 step %scan3A_91 iter_args(%scan3A_95 = %scan3A_83) -> (i32)  : i32 {
        %mul3A_96 = arith.constant 16 : i32
        %mul3A_97 = arith.muli %scan3A_94, %mul3A_96 : i32
        %get3A = arith.index_cast %mul3A_97 : i32 to index
        %get3A_98 = tpu.vector_load %arg6[%get3A] {strides = array<i32>} : memref<8192xf32, #tpu.memory_space<vmem>>, vector<16xf32>,
        %mul3A_99 = arith.constant 16 : i32
        %mul3A_100 = arith.muli %scan3A_94, %mul3A_99 : i32
        %add3A_101 = arith.addi %add3A_86, %mul3A_100 : i32
        %add3A_102 = vector.broadcast %add3A_101 : i32 to vector<16xi32>
        %add3A_103 = arith.addi %add3A_102, %iota3A : vector<16xi32>
        %shift_right_logical3A = arith.constant 11 : i32
        %shift_right_logical3A_104 = vector.broadcast %shift_right_logical3A : i32 to vector<16xi32>
        %shift_right_logical3A_105 = arith.shrui %add3A_103, %shift_right_logical3A_104 : vector<16xi32>
        %and3A = arith.constant 2047 : i32
        %and3A_106 = vector.broadcast %and3A : i32 to vector<16xi32>
        %and3A_107 = arith.andi %add3A_103, %and3A_106 : vector<16xi32>
        %gt3A = arith.constant 9.800000e-01 : f32
        %gt3A_108 = vector.broadcast %gt3A : f32 to vector<16xf32>
        %gt3A_109 = arith.cmpf ogt, %get3A_98, %gt3A_108 : vector<16xf32>
        %sub3A = arith.subi %and3A_107, %shift_right_logical3A_105 : vector<16xi32>
        %ge3A = arith.constant 24 : i32
        %ge3A_110 = vector.broadcast %ge3A : i32 to vector<16xi32>
        %ge3A_111 = arith.cmpi sge, %sub3A, %ge3A_110 : vector<16xi32>
        %and3A_112 = arith.andi %gt3A_109, %ge3A_111 : vector<16xi1>
        %convert_element_type3A = arith.extui %and3A_112 : vector<16xi1> to vector<16xi32>
        %broadcast_in_dim3A_113 = arith.constant true
        %broadcast_in_dim3A_114 = vector.broadcast %broadcast_in_dim3A_113 : i1 to vector<16xi1>
        %masked_cumsum3A = tpu.scan <sum>, %convert_element_type3A masked %broadcast_in_dim3A_114 : vector<16xi32>, vector<16xi1> -> vector<16xi32>
        %add3A_115 = vector.broadcast %scan3A_95 : i32 to vector<16xi32>
        %add3A_116 = arith.addi %add3A_115, %masked_cumsum3A : vector<16xi32>
        %sub3A_117 = arith.constant 1 : i32
        %sub3A_118 = vector.broadcast %sub3A_117 : i32 to vector<16xi32>
        %sub3A_119 = arith.subi %add3A_116, %sub3A_118 : vector<16xi32>
        %jit3A = arith.constant 0 : i32
        %jit3A_120 = arith.constant 4095 : i32
        %max3A = vector.broadcast %jit3A : i32 to vector<16xi32>
        %max3A_121 = arith.maxsi %max3A, %sub3A_119 : vector<16xi32>
        %min3A = vector.broadcast %jit3A_120 : i32 to vector<16xi32>
        %min3A_122 = arith.minsi %min3A, %max3A_121 : vector<16xi32>
        tpu.vector_store_idx %arg7[%min3A_122], %get3A_98 masked %and3A_112 : memref<4096xf32, #tpu.memory_space<vmem>>[vector<16xi32>], vector<16xf32>, vector<16xi1>
        %add3A_123 = arith.constant 8388608 : i32
        %add3A_124 = vector.broadcast %add3A_123 : i32 to vector<16xi32>
        %add3A_125 = arith.addi %add3A_103, %add3A_124 : vector<16xi32>
        tpu.vector_store_idx %arg8[%min3A_122], %add3A_125 masked %and3A_112 : memref<4096xi32, #tpu.memory_space<vmem>>[vector<16xi32>], vector<16xi32>, vector<16xi1>
        %reduce_sum3A = arith.constant true
        %reduce_sum3A_126 = vector.broadcast %reduce_sum3A : i1 to vector<16xi1>
        %reduce_sum3A_127 = tpu.scan <sum>, %convert_element_type3A masked %reduce_sum3A_126 : vector<16xi32>, vector<16xi1> -> vector<16xi32>
        %reduce_sum3A_128 = vector.extract %reduce_sum3A_127[15] : i32 from vector<16xi32>
        %add3A_129 = arith.addi %scan3A_95, %reduce_sum3A_128 : i32
        %min3A_130 = arith.constant 4096 : i32
        %min3A_131 = arith.minsi %add3A_129, %min3A_130 : i32
        scf.yield %min3A_131 : i32
      }
      %scan3A_93 = arith.constant 512 : i32
      scf.yield %scan3A_92 : i32
    }
    %scan3A_55 = arith.constant 16 : i32
    %run_scoped3A_56 = arith.constant 2 : i32
    "tpu.region"() ({
      %run_scoped3A_82 = tpu.sem_alloc : memref<!tpu.dma_semaphore, #tpu.memory_space<semaphore_mem>>
      %dma_start3A_83 = arith.constant 0 : i32
      %dma_start3A_84 = tpu.memref_slice %arg4[%run_scoped3A_56, %add3A, %dma_start3A_83] : memref<4x32x4096xf32, #tpu.memory_space<hbm>> -> memref<1x1x4096xf32, #tpu.memory_space<hbm>>
      %dma_start3A_85 = tpu.memref_squeeze %dma_start3A_84 : memref<1x1x4096xf32, #tpu.memory_space<hbm>> -> memref<4096xf32, #tpu.memory_space<hbm>>
      %dma_start3A_86 = arith.constant 0 : i32
      %dma_start3A_87 = tpu.memref_slice %arg4[%run_scoped3A_56, %add3A, %dma_start3A_86] : memref<4x32x4096xf32, #tpu.memory_space<hbm>> -> memref<1x1x4096xf32, #tpu.memory_space<hbm>>
      %dma_start3A_88 = tpu.memref_squeeze %dma_start3A_87 : memref<1x1x4096xf32, #tpu.memory_space<hbm>> -> memref<4096xf32, #tpu.memory_space<hbm>>
      tpu.enqueue_dma source(%arg7 : memref<4096xf32, #tpu.memory_space<vmem>>) target(%dma_start3A_88 : memref<4096xf32, #tpu.memory_space<hbm>>) target_semaphore(%run_scoped3A_82 : memref<!tpu.dma_semaphore, #tpu.memory_space<semaphore_mem>>)
      %dma_wait3A_89 = arith.constant 0 : i32
      %dma_wait3A_90 = tpu.memref_slice %arg4[%run_scoped3A_56, %add3A, %dma_wait3A_89] : memref<4x32x4096xf32, #tpu.memory_space<hbm>> -> memref<1x1x4096xf32, #tpu.memory_space<hbm>>
      %dma_wait3A_91 = tpu.memref_squeeze %dma_wait3A_90 : memref<1x1x4096xf32, #tpu.memory_space<hbm>> -> memref<4096xf32, #tpu.memory_space<hbm>>
      %dma_wait3A_92 = arith.constant 0 : i32
      %dma_wait3A_93 = tpu.memref_slice %arg4[%run_scoped3A_56, %add3A, %dma_wait3A_92] : memref<4x32x4096xf32, #tpu.memory_space<hbm>> -> memref<1x1x4096xf32, #tpu.memory_space<hbm>>
      %dma_wait3A_94 = tpu.memref_squeeze %dma_wait3A_93 : memref<1x1x4096xf32, #tpu.memory_space<hbm>> -> memref<4096xf32, #tpu.memory_space<hbm>>
      tpu.wait_dma2 semaphore(%run_scoped3A_82 : memref<!tpu.dma_semaphore, #tpu.memory_space<semaphore_mem>>) src(%arg7 : memref<4096xf32, #tpu.memory_space<vmem>>) dst(%dma_wait3A_94 : memref<4096xf32, #tpu.memory_space<hbm>>)
      tpu.yield
    }) : () -> ()
    %dma_start3A_57 = arith.constant 0 : i32
    %dma_start3A_58 = tpu.memref_slice %arg3[%dma_start3A_57] : memref<16777216xi32, #tpu.memory_space<hbm>> -> memref<16777216xi32, #tpu.memory_space<hbm>>
    tpu.enqueue_indirect_dma source(%dma_start3A_58 : memref<16777216xi32, #tpu.memory_space<hbm>>) target(%arg9 : memref<4096xi32, #tpu.memory_space<vmem>>) offsets(%arg8 : memref<4096xi32, #tpu.memory_space<vmem>>) semaphore(%arg10 : memref<!tpu.dma_semaphore, #tpu.memory_space<semaphore_mem>>)
    %dma_wait3A_59 = arith.constant 0 : i32
    %dma_wait3A_60 = tpu.memref_slice %arg3[%dma_wait3A_59] : memref<16777216xi32, #tpu.memory_space<hbm>> -> memref<16777216xi32, #tpu.memory_space<hbm>>
    tpu.wait_indirect_dma semaphore(%arg10 : memref<!tpu.dma_semaphore, #tpu.memory_space<semaphore_mem>>) src(%dma_wait3A_60 : memref<16777216xi32, #tpu.memory_space<hbm>>) dst(%arg9 : memref<4096xi32, #tpu.memory_space<vmem>>)
    %run_scoped3A_61 = arith.constant 2 : i32
    "tpu.region"() ({
      %run_scoped3A_82 = tpu.sem_alloc : memref<!tpu.dma_semaphore, #tpu.memory_space<semaphore_mem>>
      %dma_start3A_83 = arith.constant 0 : i32
      %dma_start3A_84 = tpu.memref_slice %arg5[%run_scoped3A_61, %add3A, %dma_start3A_83] : memref<4x32x4096xi32, #tpu.memory_space<hbm>> -> memref<1x1x4096xi32, #tpu.memory_space<hbm>>
      %dma_start3A_85 = tpu.memref_squeeze %dma_start3A_84 : memref<1x1x4096xi32, #tpu.memory_space<hbm>> -> memref<4096xi32, #tpu.memory_space<hbm>>
      %dma_start3A_86 = arith.constant 0 : i32
      %dma_start3A_87 = tpu.memref_slice %arg5[%run_scoped3A_61, %add3A, %dma_start3A_86] : memref<4x32x4096xi32, #tpu.memory_space<hbm>> -> memref<1x1x4096xi32, #tpu.memory_space<hbm>>
      %dma_start3A_88 = tpu.memref_squeeze %dma_start3A_87 : memref<1x1x4096xi32, #tpu.memory_space<hbm>> -> memref<4096xi32, #tpu.memory_space<hbm>>
      tpu.enqueue_dma source(%arg9 : memref<4096xi32, #tpu.memory_space<vmem>>) target(%dma_start3A_88 : memref<4096xi32, #tpu.memory_space<hbm>>) target_semaphore(%run_scoped3A_82 : memref<!tpu.dma_semaphore, #tpu.memory_space<semaphore_mem>>)
      %dma_wait3A_89 = arith.constant 0 : i32
      %dma_wait3A_90 = tpu.memref_slice %arg5[%run_scoped3A_61, %add3A, %dma_wait3A_89] : memref<4x32x4096xi32, #tpu.memory_space<hbm>> -> memref<1x1x4096xi32, #tpu.memory_space<hbm>>
      %dma_wait3A_91 = tpu.memref_squeeze %dma_wait3A_90 : memref<1x1x4096xi32, #tpu.memory_space<hbm>> -> memref<4096xi32, #tpu.memory_space<hbm>>
      %dma_wait3A_92 = arith.constant 0 : i32
      %dma_wait3A_93 = tpu.memref_slice %arg5[%run_scoped3A_61, %add3A, %dma_wait3A_92] : memref<4x32x4096xi32, #tpu.memory_space<hbm>> -> memref<1x1x4096xi32, #tpu.memory_space<hbm>>
      %dma_wait3A_94 = tpu.memref_squeeze %dma_wait3A_93 : memref<1x1x4096xi32, #tpu.memory_space<hbm>> -> memref<4096xi32, #tpu.memory_space<hbm>>
      tpu.wait_dma2 semaphore(%run_scoped3A_82 : memref<!tpu.dma_semaphore, #tpu.memory_space<semaphore_mem>>) src(%arg9 : memref<4096xi32, #tpu.memory_space<vmem>>) dst(%dma_wait3A_94 : memref<4096xi32, #tpu.memory_space<hbm>>)
      tpu.yield
    }) : () -> ()
    %scan3A_62 = arith.constant 0 : i32
    %scan3A_63 = arith.constant 0 : i32
    %scan3A_64 = arith.constant 256 : i32
    %scan3A_65 = arith.addi %scan3A_63, %scan3A_64 : i32
    %scan3A_66 = arith.constant 1 : i32
    %scan3A_67 = scf.for %scan3A_82 = %scan3A_63 to %scan3A_65 step %scan3A_66 iter_args(%scan3A_83 = %scan3A_62) -> (i32)  : i32 {
      %mul3A_84 = arith.constant 16 : i32
      %mul3A_85 = arith.muli %scan3A_82, %mul3A_84 : i32
      %swap3A = arith.index_cast %mul3A_85 : i32 to index
      %swap3A_86 = tpu.vector_load %arg7[%swap3A] {strides = array<i32>} : memref<4096xf32, #tpu.memory_space<vmem>>, vector<16xf32>,
      tpu.vector_store %arg7[%swap3A], %broadcast_in_dim3A_1 {strides = array<i32>} : memref<4096xf32, #tpu.memory_space<vmem>>, vector<16xf32>,
      %mul3A_87 = arith.constant 16 : i32
      %mul3A_88 = arith.muli %scan3A_82, %mul3A_87 : i32
      %swap3A_89 = arith.index_cast %mul3A_88 : i32 to index
      %swap3A_90 = tpu.vector_load %arg8[%swap3A_89] {strides = array<i32>} : memref<4096xi32, #tpu.memory_space<vmem>>, vector<16xi32>,
      tpu.vector_store %arg8[%swap3A_89], %broadcast_in_dim3A_3 {strides = array<i32>} : memref<4096xi32, #tpu.memory_space<vmem>>, vector<16xi32>,
      %scan3A_91 = arith.constant 0 : i32
      scf.yield %scan3A_91 : i32
    }
    %scan3A_68 = arith.constant 256 : i32
    %scan3A_69 = arith.constant 0 : i32
    %scan3A_70 = arith.constant 0 : i32
    %scan3A_71 = arith.constant 16 : i32
    %scan3A_72 = arith.addi %scan3A_70, %scan3A_71 : i32
    %scan3A_73 = arith.constant 1 : i32
    %scan3A_74 = scf.for %scan3A_82 = %scan3A_70 to %scan3A_72 step %scan3A_73 iter_args(%scan3A_83 = %scan3A_69) -> (i32)  : i32 {
      %mul3A_84 = arith.constant 8192 : i32
      %mul3A_85 = arith.muli %scan3A_82, %mul3A_84 : i32
      %add3A_86 = arith.addi %mul3A_5, %mul3A_85 : i32
      %run_scoped3A_87 = arith.constant 3 : i32
      "tpu.region"() ({
        %run_scoped3A_94 = tpu.sem_alloc : memref<!tpu.dma_semaphore, #tpu.memory_space<semaphore_mem>>
        %dma_start3A_95 = tpu.memref_slice %arg2[%run_scoped3A_87, %add3A_86] : memref<4x4194304xf32, #tpu.memory_space<hbm>> -> memref<1x8192xf32, #tpu.memory_space<hbm>>
        %dma_start3A_96 = tpu.memref_squeeze %dma_start3A_95 : memref<1x8192xf32, #tpu.memory_space<hbm>> -> memref<8192xf32, #tpu.memory_space<hbm>>
        %dma_start3A_97 = tpu.memref_slice %arg2[%run_scoped3A_87, %add3A_86] : memref<4x4194304xf32, #tpu.memory_space<hbm>> -> memref<1x8192xf32, #tpu.memory_space<hbm>>
        %dma_start3A_98 = tpu.memref_squeeze %dma_start3A_97 : memref<1x8192xf32, #tpu.memory_space<hbm>> -> memref<8192xf32, #tpu.memory_space<hbm>>
        tpu.enqueue_dma source(%dma_start3A_98 : memref<8192xf32, #tpu.memory_space<hbm>>) target(%arg6 : memref<8192xf32, #tpu.memory_space<vmem>>) target_semaphore(%run_scoped3A_94 : memref<!tpu.dma_semaphore, #tpu.memory_space<semaphore_mem>>)
        %dma_wait3A_99 = tpu.memref_slice %arg2[%run_scoped3A_87, %add3A_86] : memref<4x4194304xf32, #tpu.memory_space<hbm>> -> memref<1x8192xf32, #tpu.memory_space<hbm>>
        %dma_wait3A_100 = tpu.memref_squeeze %dma_wait3A_99 : memref<1x8192xf32, #tpu.memory_space<hbm>> -> memref<8192xf32, #tpu.memory_space<hbm>>
        %dma_wait3A_101 = tpu.memref_slice %arg2[%run_scoped3A_87, %add3A_86] : memref<4x4194304xf32, #tpu.memory_space<hbm>> -> memref<1x8192xf32, #tpu.memory_space<hbm>>
        %dma_wait3A_102 = tpu.memref_squeeze %dma_wait3A_101 : memref<1x8192xf32, #tpu.memory_space<hbm>> -> memref<8192xf32, #tpu.memory_space<hbm>>
        tpu.wait_dma2 semaphore(%run_scoped3A_94 : memref<!tpu.dma_semaphore, #tpu.memory_space<semaphore_mem>>) src(%dma_wait3A_102 : memref<8192xf32, #tpu.memory_space<hbm>>) dst(%arg6 : memref<8192xf32, #tpu.memory_space<vmem>>)
        tpu.yield
      }) : () -> ()
      %scan3A_88 = arith.constant 0 : i32
      %scan3A_89 = arith.constant 512 : i32
      %scan3A_90 = arith.addi %scan3A_88, %scan3A_89 : i32
      %scan3A_91 = arith.constant 1 : i32
      %scan3A_92 = scf.for %scan3A_94 = %scan3A_88 to %scan3A_90 step %scan3A_91 iter_args(%scan3A_95 = %scan3A_83) -> (i32)  : i32 {
        %mul3A_96 = arith.constant 16 : i32
        %mul3A_97 = arith.muli %scan3A_94, %mul3A_96 : i32
        %get3A = arith.index_cast %mul3A_97 : i32 to index
        %get3A_98 = tpu.vector_load %arg6[%get3A] {strides = array<i32>} : memref<8192xf32, #tpu.memory_space<vmem>>, vector<16xf32>,
        %mul3A_99 = arith.constant 16 : i32
        %mul3A_100 = arith.muli %scan3A_94, %mul3A_99 : i32
        %add3A_101 = arith.addi %add3A_86, %mul3A_100 : i32
        %add3A_102 = vector.broadcast %add3A_101 : i32 to vector<16xi32>
        %add3A_103 = arith.addi %add3A_102, %iota3A : vector<16xi32>
        %shift_right_logical3A = arith.constant 11 : i32
        %shift_right_logical3A_104 = vector.broadcast %shift_right_logical3A : i32 to vector<16xi32>
        %shift_right_logical3A_105 = arith.shrui %add3A_103, %shift_right_logical3A_104 : vector<16xi32>
        %and3A = arith.constant 2047 : i32
        %and3A_106 = vector.broadcast %and3A : i32 to vector<16xi32>
        %and3A_107 = arith.andi %add3A_103, %and3A_106 : vector<16xi32>
        %gt3A = arith.constant 9.800000e-01 : f32
        %gt3A_108 = vector.broadcast %gt3A : f32 to vector<16xf32>
        %gt3A_109 = arith.cmpf ogt, %get3A_98, %gt3A_108 : vector<16xf32>
        %sub3A = arith.subi %and3A_107, %shift_right_logical3A_105 : vector<16xi32>
        %ge3A = arith.constant 24 : i32
        %ge3A_110 = vector.broadcast %ge3A : i32 to vector<16xi32>
        %ge3A_111 = arith.cmpi sge, %sub3A, %ge3A_110 : vector<16xi32>
        %and3A_112 = arith.andi %gt3A_109, %ge3A_111 : vector<16xi1>
        %convert_element_type3A = arith.extui %and3A_112 : vector<16xi1> to vector<16xi32>
        %broadcast_in_dim3A_113 = arith.constant true
        %broadcast_in_dim3A_114 = vector.broadcast %broadcast_in_dim3A_113 : i1 to vector<16xi1>
        %masked_cumsum3A = tpu.scan <sum>, %convert_element_type3A masked %broadcast_in_dim3A_114 : vector<16xi32>, vector<16xi1> -> vector<16xi32>
        %add3A_115 = vector.broadcast %scan3A_95 : i32 to vector<16xi32>
        %add3A_116 = arith.addi %add3A_115, %masked_cumsum3A : vector<16xi32>
        %sub3A_117 = arith.constant 1 : i32
        %sub3A_118 = vector.broadcast %sub3A_117 : i32 to vector<16xi32>
        %sub3A_119 = arith.subi %add3A_116, %sub3A_118 : vector<16xi32>
        %jit3A = arith.constant 0 : i32
        %jit3A_120 = arith.constant 4095 : i32
        %max3A = vector.broadcast %jit3A : i32 to vector<16xi32>
        %max3A_121 = arith.maxsi %max3A, %sub3A_119 : vector<16xi32>
        %min3A = vector.broadcast %jit3A_120 : i32 to vector<16xi32>
        %min3A_122 = arith.minsi %min3A, %max3A_121 : vector<16xi32>
        tpu.vector_store_idx %arg7[%min3A_122], %get3A_98 masked %and3A_112 : memref<4096xf32, #tpu.memory_space<vmem>>[vector<16xi32>], vector<16xf32>, vector<16xi1>
        %add3A_123 = arith.constant 12582912 : i32
        %add3A_124 = vector.broadcast %add3A_123 : i32 to vector<16xi32>
        %add3A_125 = arith.addi %add3A_103, %add3A_124 : vector<16xi32>
        tpu.vector_store_idx %arg8[%min3A_122], %add3A_125 masked %and3A_112 : memref<4096xi32, #tpu.memory_space<vmem>>[vector<16xi32>], vector<16xi32>, vector<16xi1>
        %reduce_sum3A = arith.constant true
        %reduce_sum3A_126 = vector.broadcast %reduce_sum3A : i1 to vector<16xi1>
        %reduce_sum3A_127 = tpu.scan <sum>, %convert_element_type3A masked %reduce_sum3A_126 : vector<16xi32>, vector<16xi1> -> vector<16xi32>
        %reduce_sum3A_128 = vector.extract %reduce_sum3A_127[15] : i32 from vector<16xi32>
        %add3A_129 = arith.addi %scan3A_95, %reduce_sum3A_128 : i32
        %min3A_130 = arith.constant 4096 : i32
        %min3A_131 = arith.minsi %add3A_129, %min3A_130 : i32
        scf.yield %min3A_131 : i32
      }
      %scan3A_93 = arith.constant 512 : i32
      scf.yield %scan3A_92 : i32
    }
    %scan3A_75 = arith.constant 16 : i32
    %run_scoped3A_76 = arith.constant 3 : i32
    "tpu.region"() ({
      %run_scoped3A_82 = tpu.sem_alloc : memref<!tpu.dma_semaphore, #tpu.memory_space<semaphore_mem>>
      %dma_start3A_83 = arith.constant 0 : i32
      %dma_start3A_84 = tpu.memref_slice %arg4[%run_scoped3A_76, %add3A, %dma_start3A_83] : memref<4x32x4096xf32, #tpu.memory_space<hbm>> -> memref<1x1x4096xf32, #tpu.memory_space<hbm>>
      %dma_start3A_85 = tpu.memref_squeeze %dma_start3A_84 : memref<1x1x4096xf32, #tpu.memory_space<hbm>> -> memref<4096xf32, #tpu.memory_space<hbm>>
      %dma_start3A_86 = arith.constant 0 : i32
      %dma_start3A_87 = tpu.memref_slice %arg4[%run_scoped3A_76, %add3A, %dma_start3A_86] : memref<4x32x4096xf32, #tpu.memory_space<hbm>> -> memref<1x1x4096xf32, #tpu.memory_space<hbm>>
      %dma_start3A_88 = tpu.memref_squeeze %dma_start3A_87 : memref<1x1x4096xf32, #tpu.memory_space<hbm>> -> memref<4096xf32, #tpu.memory_space<hbm>>
      tpu.enqueue_dma source(%arg7 : memref<4096xf32, #tpu.memory_space<vmem>>) target(%dma_start3A_88 : memref<4096xf32, #tpu.memory_space<hbm>>) target_semaphore(%run_scoped3A_82 : memref<!tpu.dma_semaphore, #tpu.memory_space<semaphore_mem>>)
      %dma_wait3A_89 = arith.constant 0 : i32
      %dma_wait3A_90 = tpu.memref_slice %arg4[%run_scoped3A_76, %add3A, %dma_wait3A_89] : memref<4x32x4096xf32, #tpu.memory_space<hbm>> -> memref<1x1x4096xf32, #tpu.memory_space<hbm>>
      %dma_wait3A_91 = tpu.memref_squeeze %dma_wait3A_90 : memref<1x1x4096xf32, #tpu.memory_space<hbm>> -> memref<4096xf32, #tpu.memory_space<hbm>>
      %dma_wait3A_92 = arith.constant 0 : i32
      %dma_wait3A_93 = tpu.memref_slice %arg4[%run_scoped3A_76, %add3A, %dma_wait3A_92] : memref<4x32x4096xf32, #tpu.memory_space<hbm>> -> memref<1x1x4096xf32, #tpu.memory_space<hbm>>
      %dma_wait3A_94 = tpu.memref_squeeze %dma_wait3A_93 : memref<1x1x4096xf32, #tpu.memory_space<hbm>> -> memref<4096xf32, #tpu.memory_space<hbm>>
      tpu.wait_dma2 semaphore(%run_scoped3A_82 : memref<!tpu.dma_semaphore, #tpu.memory_space<semaphore_mem>>) src(%arg7 : memref<4096xf32, #tpu.memory_space<vmem>>) dst(%dma_wait3A_94 : memref<4096xf32, #tpu.memory_space<hbm>>)
      tpu.yield
    }) : () -> ()
    %dma_start3A_77 = arith.constant 0 : i32
    %dma_start3A_78 = tpu.memref_slice %arg3[%dma_start3A_77] : memref<16777216xi32, #tpu.memory_space<hbm>> -> memref<16777216xi32, #tpu.memory_space<hbm>>
    tpu.enqueue_indirect_dma source(%dma_start3A_78 : memref<16777216xi32, #tpu.memory_space<hbm>>) target(%arg9 : memref<4096xi32, #tpu.memory_space<vmem>>) offsets(%arg8 : memref<4096xi32, #tpu.memory_space<vmem>>) semaphore(%arg10 : memref<!tpu.dma_semaphore, #tpu.memory_space<semaphore_mem>>)
    %dma_wait3A_79 = arith.constant 0 : i32
    %dma_wait3A_80 = tpu.memref_slice %arg3[%dma_wait3A_79] : memref<16777216xi32, #tpu.memory_space<hbm>> -> memref<16777216xi32, #tpu.memory_space<hbm>>
    tpu.wait_indirect_dma semaphore(%arg10 : memref<!tpu.dma_semaphore, #tpu.memory_space<semaphore_mem>>) src(%dma_wait3A_80 : memref<16777216xi32, #tpu.memory_space<hbm>>) dst(%arg9 : memref<4096xi32, #tpu.memory_space<vmem>>)
    %run_scoped3A_81 = arith.constant 3 : i32
    "tpu.region"() ({
      %run_scoped3A_82 = tpu.sem_alloc : memref<!tpu.dma_semaphore, #tpu.memory_space<semaphore_mem>>
      %dma_start3A_83 = arith.constant 0 : i32
      %dma_start3A_84 = tpu.memref_slice %arg5[%run_scoped3A_81, %add3A, %dma_start3A_83] : memref<4x32x4096xi32, #tpu.memory_space<hbm>> -> memref<1x1x4096xi32, #tpu.memory_space<hbm>>
      %dma_start3A_85 = tpu.memref_squeeze %dma_start3A_84 : memref<1x1x4096xi32, #tpu.memory_space<hbm>> -> memref<4096xi32, #tpu.memory_space<hbm>>
      %dma_start3A_86 = arith.constant 0 : i32
      %dma_start3A_87 = tpu.memref_slice %arg5[%run_scoped3A_81, %add3A, %dma_start3A_86] : memref<4x32x4096xi32, #tpu.memory_space<hbm>> -> memref<1x1x4096xi32, #tpu.memory_space<hbm>>
      %dma_start3A_88 = tpu.memref_squeeze %dma_start3A_87 : memref<1x1x4096xi32, #tpu.memory_space<hbm>> -> memref<4096xi32, #tpu.memory_space<hbm>>
      tpu.enqueue_dma source(%arg9 : memref<4096xi32, #tpu.memory_space<vmem>>) target(%dma_start3A_88 : memref<4096xi32, #tpu.memory_space<hbm>>) target_semaphore(%run_scoped3A_82 : memref<!tpu.dma_semaphore, #tpu.memory_space<semaphore_mem>>)
      %dma_wait3A_89 = arith.constant 0 : i32
      %dma_wait3A_90 = tpu.memref_slice %arg5[%run_scoped3A_81, %add3A, %dma_wait3A_89] : memref<4x32x4096xi32, #tpu.memory_space<hbm>> -> memref<1x1x4096xi32, #tpu.memory_space<hbm>>
      %dma_wait3A_91 = tpu.memref_squeeze %dma_wait3A_90 : memref<1x1x4096xi32, #tpu.memory_space<hbm>> -> memref<4096xi32, #tpu.memory_space<hbm>>
      %dma_wait3A_92 = arith.constant 0 : i32
      %dma_wait3A_93 = tpu.memref_slice %arg5[%run_scoped3A_81, %add3A, %dma_wait3A_92] : memref<4x32x4096xi32, #tpu.memory_space<hbm>> -> memref<1x1x4096xi32, #tpu.memory_space<hbm>>
      %dma_wait3A_94 = tpu.memref_squeeze %dma_wait3A_93 : memref<1x1x4096xi32, #tpu.memory_space<hbm>> -> memref<4096xi32, #tpu.memory_space<hbm>>
      tpu.wait_dma2 semaphore(%run_scoped3A_82 : memref<!tpu.dma_semaphore, #tpu.memory_space<semaphore_mem>>) src(%arg9 : memref<4096xi32, #tpu.memory_space<vmem>>) dst(%dma_wait3A_94 : memref<4096xi32, #tpu.memory_space<hbm>>)
      tpu.yield
    }) : () -> ()
    return
  }
}

module attributes {stable_mosaic.version = 14 : i64} {
  func.func @_loss_body(%arg0: i32, %arg1: i32, %arg2: memref<1x256x2048xf32, #tpu.memory_space<vmem>>, %arg3: memref<1x256x2048xi32, #tpu.memory_space<vmem>>, %arg4: memref<8x128xf32, #tpu.memory_space<vmem>>, %arg5: memref<8x128xf32, #tpu.memory_space<vmem>>) attributes {dimension_semantics = [#tpu.dimension_semantics<arbitrary>, #tpu.dimension_semantics<arbitrary>], iteration_bounds = array<i64: 4, 8>, scalar_prefetch = 0 : i64, scratch_operands = 0 : i64, tpu.core_type = #tpu.core_type<tc>, window_params = [{transform_indices = @transform_0, window_bounds = array<i64: 1, 256, 2048>}, {transform_indices = @transform_1, window_bounds = array<i64: 1, 256, 2048>}, {pipeline_mode = #tpu.pipeline_mode<synchronous>, transform_indices = @transform_2, window_bounds = array<i64: 8, 128>}, {pipeline_mode = #tpu.pipeline_mode<synchronous>, transform_indices = @transform_3, window_bounds = array<i64: 8, 128>}]} {
    %eq3A = arith.constant 0 : i32
    %eq3A_0 = arith.cmpi eq, %arg0, %eq3A : i32
    %eq3A_1 = arith.constant 0 : i32
    %eq3A_2 = arith.cmpi eq, %arg1, %eq3A_1 : i32
    %and3A = arith.andi %eq3A_0, %eq3A_2 : i1
    %convert_element_type3A = arith.extui %and3A : i1 to i32
    %cond3A = arith.constant 0 : i32
    %cond3A_3 = arith.cmpi ne, %convert_element_type3A, %cond3A : i32
    scf.if %cond3A_3 {
      %broadcast_in_dim3A_41 = arith.constant 0.000000e+00 : f32
      %broadcast_in_dim3A_42 = vector.broadcast %broadcast_in_dim3A_41 : f32 to vector<8x128xf32>
      %swap3A_43 = arith.constant 0 : index
      %swap3A_44 = arith.constant 0 : index
      %swap3A_45 = vector.load %arg4[%swap3A_43, %swap3A_44] : memref<8x128xf32, #tpu.memory_space<vmem>>, vector<8x128xf32>
      tpu.vector_store %arg4[%swap3A_43, %swap3A_44], %broadcast_in_dim3A_42 {strides = array<i32>} : memref<8x128xf32, #tpu.memory_space<vmem>>, vector<8x128xf32>,
      %broadcast_in_dim3A_46 = arith.constant 0.000000e+00 : f32
      %broadcast_in_dim3A_47 = vector.broadcast %broadcast_in_dim3A_46 : f32 to vector<8x128xf32>
      %swap3A_48 = arith.constant 0 : index
      %swap3A_49 = arith.constant 0 : index
      %swap3A_50 = vector.load %arg5[%swap3A_48, %swap3A_49] : memref<8x128xf32, #tpu.memory_space<vmem>>, vector<8x128xf32>
      tpu.vector_store %arg5[%swap3A_48, %swap3A_49], %broadcast_in_dim3A_47 {strides = array<i32>} : memref<8x128xf32, #tpu.memory_space<vmem>>, vector<8x128xf32>,
    } else {
    }
    %get3A = arith.constant 0 : index
    %get3A_4 = arith.constant 0 : index
    %get3A_5 = arith.constant 0 : index
    %get3A_6 = vector.load %arg2[%get3A, %get3A_4, %get3A_5] : memref<1x256x2048xf32, #tpu.memory_space<vmem>>, vector<1x256x2048xf32>
    %get3A_7 = vector.shape_cast %get3A_6 : vector<1x256x2048xf32> to vector<256x2048xf32>
    %get3A_8 = arith.constant 0 : index
    %get3A_9 = arith.constant 0 : index
    %get3A_10 = arith.constant 0 : index
    %get3A_11 = vector.load %arg3[%get3A_8, %get3A_9, %get3A_10] : memref<1x256x2048xi32, #tpu.memory_space<vmem>>, vector<1x256x2048xi32>
    %get3A_12 = vector.shape_cast %get3A_11 : vector<1x256x2048xi32> to vector<256x2048xi32>
    %ne3A = arith.constant -1 : i32
    %ne3A_13 = vector.broadcast %ne3A : i32 to vector<256x2048xi32>
    %ne3A_14 = arith.cmpi ne, %get3A_12, %ne3A_13 : vector<256x2048xi32>
    %convert_element_type3A_15 = arith.sitofp %get3A_12 : vector<256x2048xi32> to vector<256x2048xf32>
    %sub3A = arith.subf %get3A_7, %convert_element_type3A_15 : vector<256x2048xf32>
    %mul3A = arith.mulf %sub3A, %sub3A : vector<256x2048xf32>
    %jit3A = arith.constant 0.000000e+00 : f32
    %broadcast_in_dim3A = vector.broadcast %jit3A : f32 to vector<256x2048xf32>
    %select_n3A = arith.select %ne3A_14, %mul3A, %broadcast_in_dim3A : vector<256x2048xi1>, vector<256x2048xf32>
    %get3A_16 = arith.constant 0 : index
    %get3A_17 = arith.constant 0 : index
    %get3A_18 = vector.load %arg4[%get3A_16, %get3A_17] : memref<8x128xf32, #tpu.memory_space<vmem>>, vector<8x128xf32>
    %reduce_sum3A = vector.shape_cast %select_n3A : vector<256x2048xf32> to vector<1x256x2048xf32>
    %reduce_sum3A_19 = arith.constant dense<0.000000e+00> : vector<1xf32>
    %reduce_sum3A_20 = vector.multi_reduction <add>, %reduce_sum3A, %reduce_sum3A_19 [1, 2] : vector<1x256x2048xf32> to vector<1xf32>
    %reduce_sum3A_21 = vector.shape_cast %reduce_sum3A_20 : vector<1xf32> to vector<1x1x1xf32>
    %reduce_sum3A_22 = vector.extract %reduce_sum3A_21[0, 0, 0] : f32 from vector<1x1x1xf32>
    %add3A = vector.broadcast %reduce_sum3A_22 : f32 to vector<8x128xf32>
    %add3A_23 = arith.addf %get3A_18, %add3A : vector<8x128xf32>
    %swap3A = arith.constant 0 : index
    %swap3A_24 = arith.constant 0 : index
    %swap3A_25 = vector.load %arg4[%swap3A, %swap3A_24] : memref<8x128xf32, #tpu.memory_space<vmem>>, vector<8x128xf32>
    tpu.vector_store %arg4[%swap3A, %swap3A_24], %add3A_23 {strides = array<i32>} : memref<8x128xf32, #tpu.memory_space<vmem>>, vector<8x128xf32>,
    %get3A_26 = arith.constant 0 : index
    %get3A_27 = arith.constant 0 : index
    %get3A_28 = vector.load %arg5[%get3A_26, %get3A_27] : memref<8x128xf32, #tpu.memory_space<vmem>>, vector<8x128xf32>
    %convert_element_type3A_29 = arith.extui %ne3A_14 : vector<256x2048xi1> to vector<256x2048xi32>
    %convert_element_type3A_30 = arith.sitofp %convert_element_type3A_29 : vector<256x2048xi32> to vector<256x2048xf32>
    %reduce_sum3A_31 = vector.shape_cast %convert_element_type3A_30 : vector<256x2048xf32> to vector<1x256x2048xf32>
    %reduce_sum3A_32 = arith.constant dense<0.000000e+00> : vector<1xf32>
    %reduce_sum3A_33 = vector.multi_reduction <add>, %reduce_sum3A_31, %reduce_sum3A_32 [1, 2] : vector<1x256x2048xf32> to vector<1xf32>
    %reduce_sum3A_34 = vector.shape_cast %reduce_sum3A_33 : vector<1xf32> to vector<1x1x1xf32>
    %reduce_sum3A_35 = vector.extract %reduce_sum3A_34[0, 0, 0] : f32 from vector<1x1x1xf32>
    %add3A_36 = vector.broadcast %reduce_sum3A_35 : f32 to vector<8x128xf32>
    %add3A_37 = arith.addf %get3A_28, %add3A_36 : vector<8x128xf32>
    %swap3A_38 = arith.constant 0 : index
    %swap3A_39 = arith.constant 0 : index
    %swap3A_40 = vector.load %arg5[%swap3A_38, %swap3A_39] : memref<8x128xf32, #tpu.memory_space<vmem>>, vector<8x128xf32>
    tpu.vector_store %arg5[%swap3A_38, %swap3A_39], %add3A_37 {strides = array<i32>} : memref<8x128xf32, #tpu.memory_space<vmem>>, vector<8x128xf32>,
    return
  }
  func.func @transform_0(%arg0: i32, %arg1: i32) -> (i32, i32, i32) {
    %c0_i32 = arith.constant 0 : i32
    %c0_i32_0 = arith.constant 0 : i32
    return %arg0, %arg1, %c0_i32 : i32, i32, i32
  }
  func.func @transform_1(%arg0: i32, %arg1: i32) -> (i32, i32, i32) {
    %c0_i32 = arith.constant 0 : i32
    %c0_i32_0 = arith.constant 0 : i32
    return %arg0, %arg1, %c0_i32 : i32, i32, i32
  }
  func.func @transform_2(%arg0: i32, %arg1: i32) -> (i32, i32) {
    %c0_i32 = arith.constant 0 : i32
    %c0_i32_0 = arith.constant 0 : i32
    %c0_i32_1 = arith.constant 0 : i32
    return %c0_i32, %c0_i32_0 : i32, i32
  }
  func.func @transform_3(%arg0: i32, %arg1: i32) -> (i32, i32) {
    %c0_i32 = arith.constant 0 : i32
    %c0_i32_0 = arith.constant 0 : i32
    %c0_i32_1 = arith.constant 0 : i32
    return %c0_i32, %c0_i32_0 : i32, i32
  }
}

module attributes {stable_mosaic.version = 14 : i64} {
  func.func @_select_body(%arg0: i32, %arg1: memref<4xi32, #tpu.memory_space<smem>>, %arg2: memref<1x32x4096xf32, #tpu.memory_space<vmem>>, %arg3: memref<1x32x4096xi32, #tpu.memory_space<vmem>>, %arg4: memref<8x128xf32, #tpu.memory_space<vmem>>) attributes {dimension_semantics = [#tpu.dimension_semantics<arbitrary>], iteration_bounds = array<i64: 4>, scalar_prefetch = 0 : i64, scratch_operands = 0 : i64, tpu.core_type = #tpu.core_type<tc>, window_params = [{transform_indices = @transform_0, window_bounds = array<i64: 4>}, {transform_indices = @transform_1, window_bounds = array<i64: 1, 32, 4096>}, {transform_indices = @transform_2, window_bounds = array<i64: 1, 32, 4096>}, {pipeline_mode = #tpu.pipeline_mode<synchronous>, transform_indices = @transform_3, window_bounds = array<i64: 8, 128>}]} {
    %eq3A = arith.constant 0 : i32
    %eq3A_0 = arith.cmpi eq, %arg0, %eq3A : i32
    %convert_element_type3A = arith.extui %eq3A_0 : i1 to i32
    %cond3A = arith.constant 0 : i32
    %cond3A_1 = arith.cmpi ne, %convert_element_type3A, %cond3A : i32
    scf.if %cond3A_1 {
      %broadcast_in_dim3A_307 = arith.constant 0.000000e+00 : f32
      %broadcast_in_dim3A_308 = vector.broadcast %broadcast_in_dim3A_307 : f32 to vector<8x128xf32>
      %swap3A_309 = arith.constant 0 : index
      %swap3A_310 = arith.constant 0 : index
      %swap3A_311 = vector.load %arg4[%swap3A_309, %swap3A_310] : memref<8x128xf32, #tpu.memory_space<vmem>>, vector<8x128xf32>
      tpu.vector_store %arg4[%swap3A_309, %swap3A_310], %broadcast_in_dim3A_308 {strides = array<i32>} : memref<8x128xf32, #tpu.memory_space<vmem>>, vector<8x128xf32>,
    } else {
    }
    %get3A = arith.constant 0 : index
    %get3A_2 = arith.constant 0 : index
    %get3A_3 = arith.constant 0 : index
    %get3A_4 = vector.load %arg2[%get3A, %get3A_2, %get3A_3] : memref<1x32x4096xf32, #tpu.memory_space<vmem>>, vector<1x32x4096xf32>
    %get3A_5 = vector.shape_cast %get3A_4 : vector<1x32x4096xf32> to vector<32x4096xf32>
    %bitcast_convert_type3A = tpu.bitcast %get3A_5 : vector<32x4096xf32> -> vector<32x4096xi32>
    %get3A_6 = arith.constant 0 : index
    %get3A_7 = arith.constant 0 : index
    %get3A_8 = arith.constant 0 : index
    %get3A_9 = vector.load %arg3[%get3A_6, %get3A_7, %get3A_8] : memref<1x32x4096xi32, #tpu.memory_space<vmem>>, vector<1x32x4096xi32>
    %get3A_10 = vector.shape_cast %get3A_9 : vector<1x32x4096xi32> to vector<32x4096xi32>
    %convert_element_type3A_11 = arith.sitofp %get3A_10 : vector<32x4096xi32> to vector<32x4096xf32>
    %get3A_12 = arith.index_cast %arg0 : i32 to index
    %get3A_13 = memref.load %arg1[%get3A_12] : memref<4xi32, #tpu.memory_space<smem>>
    %iota3A = tpu.iota {dimensions = array<i32: 0>} : vector<8x128xi32>
    %iota3A_14 = tpu.iota {dimensions = array<i32: 1>} : vector<8x128xi32>
    %broadcast_in_dim3A = arith.constant 0.000000e+00 : f32
    %broadcast_in_dim3A_15 = vector.broadcast %broadcast_in_dim3A : f32 to vector<8x128xf32>
    %jit3A = arith.constant 1 : i32
    %div3A = arith.divsi %get3A_13, %jit3A : i32
    %sign3A = arith.constant 0 : i32
    %sign3A_16 = arith.cmpi sgt, %get3A_13, %sign3A : i32
    %sign3A_17 = arith.extui %sign3A_16 : i1 to i32
    %sign3A_18 = arith.constant 0 : i32
    %sign3A_19 = arith.cmpi slt, %get3A_13, %sign3A_18 : i32
    %sign3A_20 = arith.extui %sign3A_19 : i1 to i32
    %sign3A_21 = arith.subi %sign3A_17, %sign3A_20 : i32
    %sign3A_22 = arith.constant 0 : i32
    %sign3A_23 = arith.cmpi sgt, %jit3A, %sign3A_22 : i32
    %sign3A_24 = arith.extui %sign3A_23 : i1 to i32
    %sign3A_25 = arith.constant 0 : i32
    %sign3A_26 = arith.cmpi slt, %jit3A, %sign3A_25 : i32
    %sign3A_27 = arith.extui %sign3A_26 : i1 to i32
    %sign3A_28 = arith.subi %sign3A_24, %sign3A_27 : i32
    %ne3A = arith.cmpi ne, %sign3A_21, %sign3A_28 : i32
    %rem3A = arith.remsi %get3A_13, %jit3A : i32
    %ne3A_29 = arith.constant 0 : i32
    %ne3A_30 = arith.cmpi ne, %rem3A, %ne3A_29 : i32
    %and3A = arith.andi %ne3A, %ne3A_30 : i1
    %sub3A = arith.constant 1 : i32
    %sub3A_31 = arith.subi %div3A, %sub3A : i32
    %select_n3A = arith.select %and3A, %sub3A_31, %div3A : i32
    %scan3A = arith.constant 0 : i32
    %scan3A_32 = arith.constant 1065353216 : i32
    %scan3A_33 = arith.constant 0 : i32
    %scan3A_34 = arith.constant 31 : i32
    %scan3A_35 = arith.addi %scan3A_33, %scan3A_34 : i32
    %scan3A_36 = arith.constant 1 : i32
    %scan3A_37:2 = scf.for %scan3A_307 = %scan3A_33 to %scan3A_35 step %scan3A_36 iter_args(%scan3A_308 = %scan3A, %scan3A_309 = %scan3A_32) -> (i32, i32)  : i32 {
      %lt3A = arith.cmpi slt, %scan3A_308, %scan3A_309 : i32
      %sub3A_310 = arith.subi %scan3A_309, %scan3A_308 : i32
      %shift_right_logical3A = arith.constant 1 : i32
      %shift_right_logical3A_311 = arith.shrui %sub3A_310, %shift_right_logical3A : i32
      %add3A_312 = arith.addi %scan3A_308, %shift_right_logical3A_311 : i32
      %gt3A_313 = vector.broadcast %add3A_312 : i32 to vector<32x4096xi32>
      %gt3A_314 = arith.cmpi sgt, %bitcast_convert_type3A, %gt3A_313 : vector<32x4096xi32>
      %convert_element_type3A_315 = arith.extui %gt3A_314 : vector<32x4096xi1> to vector<32x4096xi32>
      %reduce_sum3A_316 = vector.shape_cast %convert_element_type3A_315 : vector<32x4096xi32> to vector<1x32x4096xi32>
      %reduce_sum3A_317 = arith.constant dense<0> : vector<1xi32>
      %reduce_sum3A_318 = vector.multi_reduction <add>, %reduce_sum3A_316, %reduce_sum3A_317 [1, 2] : vector<1x32x4096xi32> to vector<1xi32>
      %reduce_sum3A_319 = vector.shape_cast %reduce_sum3A_318 : vector<1xi32> to vector<1x1x1xi32>
      %reduce_sum3A_320 = vector.extract %reduce_sum3A_319[0, 0, 0] : i32 from vector<1x1x1xi32>
      %sub3A_321 = arith.constant 1 : i32
      %sub3A_322 = arith.subi %select_n3A, %sub3A_321 : i32
      %le3A = arith.cmpi sle, %reduce_sum3A_320, %sub3A_322 : i32
      %and3A_323 = arith.andi %lt3A, %le3A : i1
      %select_n3A_324 = arith.select %and3A_323, %add3A_312, %scan3A_309 : i32
      %not3A = arith.constant true
      %not3A_325 = arith.xori %le3A, %not3A : i1
      %and3A_326 = arith.andi %lt3A, %not3A_325 : i1
      %add3A_327 = arith.constant 1 : i32
      %add3A_328 = arith.addi %add3A_312, %add3A_327 : i32
      %select_n3A_329 = arith.select %and3A_326, %add3A_328, %scan3A_308 : i32
      scf.yield %select_n3A_329, %select_n3A_324 : i32, i32
    }
    %gt3A = vector.broadcast %scan3A_37#0 : i32 to vector<32x4096xi32>
    %gt3A_38 = arith.cmpi sgt, %bitcast_convert_type3A, %gt3A : vector<32x4096xi32>
    %eq3A_39 = vector.broadcast %scan3A_37#0 : i32 to vector<32x4096xi32>
    %eq3A_40 = arith.cmpi eq, %bitcast_convert_type3A, %eq3A_39 : vector<32x4096xi32>
    %convert_element_type3A_41 = arith.extui %gt3A_38 : vector<32x4096xi1> to vector<32x4096xi32>
    %convert_element_type3A_42 = arith.sitofp %convert_element_type3A_41 : vector<32x4096xi32> to vector<32x4096xf32>
    %reduce_sum3A = vector.shape_cast %convert_element_type3A_42 : vector<32x4096xf32> to vector<1x32x4096xf32>
    %reduce_sum3A_43 = arith.constant dense<0.000000e+00> : vector<1xf32>
    %reduce_sum3A_44 = vector.multi_reduction <add>, %reduce_sum3A, %reduce_sum3A_43 [1, 2] : vector<1x32x4096xf32> to vector<1xf32>
    %reduce_sum3A_45 = vector.shape_cast %reduce_sum3A_44 : vector<1xf32> to vector<1x1x1xf32>
    %reduce_sum3A_46 = vector.extract %reduce_sum3A_45[0, 0, 0] : f32 from vector<1x1x1xf32>
    %jit3A_47 = arith.constant 0.000000e+00 : f32
    %broadcast_in_dim3A_48 = vector.broadcast %jit3A_47 : f32 to vector<32x4096xf32>
    %select_n3A_49 = arith.select %gt3A_38, %convert_element_type3A_11, %broadcast_in_dim3A_48 : vector<32x4096xi1>, vector<32x4096xf32>
    %reduce_sum3A_50 = vector.shape_cast %select_n3A_49 : vector<32x4096xf32> to vector<1x32x4096xf32>
    %reduce_sum3A_51 = arith.constant dense<0.000000e+00> : vector<1xf32>
    %reduce_sum3A_52 = vector.multi_reduction <add>, %reduce_sum3A_50, %reduce_sum3A_51 [1, 2] : vector<1x32x4096xf32> to vector<1xf32>
    %reduce_sum3A_53 = vector.shape_cast %reduce_sum3A_52 : vector<1xf32> to vector<1x1x1xf32>
    %reduce_sum3A_54 = vector.extract %reduce_sum3A_53[0, 0, 0] : f32 from vector<1x1x1xf32>
    %convert_element_type3A_55 = arith.extui %eq3A_40 : vector<32x4096xi1> to vector<32x4096xi32>
    %convert_element_type3A_56 = arith.sitofp %convert_element_type3A_55 : vector<32x4096xi32> to vector<32x4096xf32>
    %reduce_sum3A_57 = vector.shape_cast %convert_element_type3A_56 : vector<32x4096xf32> to vector<1x32x4096xf32>
    %reduce_sum3A_58 = arith.constant dense<0.000000e+00> : vector<1xf32>
    %reduce_sum3A_59 = vector.multi_reduction <add>, %reduce_sum3A_57, %reduce_sum3A_58 [1, 2] : vector<1x32x4096xf32> to vector<1xf32>
    %reduce_sum3A_60 = vector.shape_cast %reduce_sum3A_59 : vector<1xf32> to vector<1x1x1xf32>
    %reduce_sum3A_61 = vector.extract %reduce_sum3A_60[0, 0, 0] : f32 from vector<1x1x1xf32>
    %jit3A_62 = arith.constant 0.000000e+00 : f32
    %broadcast_in_dim3A_63 = vector.broadcast %jit3A_62 : f32 to vector<32x4096xf32>
    %select_n3A_64 = arith.select %eq3A_40, %convert_element_type3A_11, %broadcast_in_dim3A_63 : vector<32x4096xi1>, vector<32x4096xf32>
    %reduce_sum3A_65 = vector.shape_cast %select_n3A_64 : vector<32x4096xf32> to vector<1x32x4096xf32>
    %reduce_sum3A_66 = arith.constant dense<0.000000e+00> : vector<1xf32>
    %reduce_sum3A_67 = vector.multi_reduction <add>, %reduce_sum3A_65, %reduce_sum3A_66 [1, 2] : vector<1x32x4096xf32> to vector<1xf32>
    %reduce_sum3A_68 = vector.shape_cast %reduce_sum3A_67 : vector<1xf32> to vector<1x1x1xf32>
    %reduce_sum3A_69 = vector.extract %reduce_sum3A_68[0, 0, 0] : f32 from vector<1x1x1xf32>
    %convert_element_type3A_70 = arith.sitofp %select_n3A : i32 to f32
    %sub3A_71 = arith.subf %convert_element_type3A_70, %reduce_sum3A_46 : f32
    %jit3A_72 = arith.constant 0.000000e+00 : f32
    %max3A = arith.maximumf %jit3A_72, %sub3A_71 : f32
    %min3A = arith.minimumf %reduce_sum3A_61, %max3A : f32
    %gt3A_73 = arith.constant 0.000000e+00 : f32
    %gt3A_74 = arith.cmpf ogt, %reduce_sum3A_61, %gt3A_73 : f32
    %mul3A = arith.mulf %min3A, %reduce_sum3A_69 : f32
    %max3A_75 = arith.constant 1.000000e+00 : f32
    %max3A_76 = arith.maximumf %reduce_sum3A_61, %max3A_75 : f32
    %div3A_77 = arith.divf %mul3A, %max3A_76 : f32
    %jit3A_78 = arith.constant 0.000000e+00 : f32
    %select_n3A_79 = arith.select %gt3A_74, %div3A_77, %jit3A_78 : f32
    %add3A = arith.addf %reduce_sum3A_54, %select_n3A_79 : f32
    %eq3A_80 = arith.constant 0 : i32
    %eq3A_81 = vector.broadcast %eq3A_80 : i32 to vector<8x128xi32>
    %eq3A_82 = arith.cmpi eq, %iota3A_14, %eq3A_81 : vector<8x128xi32>
    %eq3A_83 = arith.constant 0 : i32
    %eq3A_84 = vector.broadcast %eq3A_83 : i32 to vector<8x128xi32>
    %eq3A_85 = arith.cmpi eq, %iota3A, %eq3A_84 : vector<8x128xi32>
    %and3A_86 = arith.andi %eq3A_85, %eq3A_82 : vector<8x128xi1>
    %jit3A_87 = arith.constant 0.000000e+00 : f32
    %broadcast_in_dim3A_88 = vector.broadcast %add3A : f32 to vector<8x128xf32>
    %broadcast_in_dim3A_89 = vector.broadcast %jit3A_87 : f32 to vector<8x128xf32>
    %select_n3A_90 = arith.select %and3A_86, %broadcast_in_dim3A_88, %broadcast_in_dim3A_89 : vector<8x128xi1>, vector<8x128xf32>
    %add3A_91 = arith.addf %broadcast_in_dim3A_15, %select_n3A_90 : vector<8x128xf32>
    %eq3A_92 = arith.constant 1 : i32
    %eq3A_93 = vector.broadcast %eq3A_92 : i32 to vector<8x128xi32>
    %eq3A_94 = arith.cmpi eq, %iota3A, %eq3A_93 : vector<8x128xi32>
    %and3A_95 = arith.andi %eq3A_94, %eq3A_82 : vector<8x128xi1>
    %jit3A_96 = arith.constant 0.000000e+00 : f32
    %broadcast_in_dim3A_97 = vector.broadcast %convert_element_type3A_70 : f32 to vector<8x128xf32>
    %broadcast_in_dim3A_98 = vector.broadcast %jit3A_96 : f32 to vector<8x128xf32>
    %select_n3A_99 = arith.select %and3A_95, %broadcast_in_dim3A_97, %broadcast_in_dim3A_98 : vector<8x128xi1>, vector<8x128xf32>
    %add3A_100 = arith.addf %add3A_91, %select_n3A_99 : vector<8x128xf32>
    %jit3A_101 = arith.constant 2 : i32
    %div3A_102 = arith.divsi %get3A_13, %jit3A_101 : i32
    %sign3A_103 = arith.constant 0 : i32
    %sign3A_104 = arith.cmpi sgt, %get3A_13, %sign3A_103 : i32
    %sign3A_105 = arith.extui %sign3A_104 : i1 to i32
    %sign3A_106 = arith.constant 0 : i32
    %sign3A_107 = arith.cmpi slt, %get3A_13, %sign3A_106 : i32
    %sign3A_108 = arith.extui %sign3A_107 : i1 to i32
    %sign3A_109 = arith.subi %sign3A_105, %sign3A_108 : i32
    %sign3A_110 = arith.constant 0 : i32
    %sign3A_111 = arith.cmpi sgt, %jit3A_101, %sign3A_110 : i32
    %sign3A_112 = arith.extui %sign3A_111 : i1 to i32
    %sign3A_113 = arith.constant 0 : i32
    %sign3A_114 = arith.cmpi slt, %jit3A_101, %sign3A_113 : i32
    %sign3A_115 = arith.extui %sign3A_114 : i1 to i32
    %sign3A_116 = arith.subi %sign3A_112, %sign3A_115 : i32
    %ne3A_117 = arith.cmpi ne, %sign3A_109, %sign3A_116 : i32
    %rem3A_118 = arith.remsi %get3A_13, %jit3A_101 : i32
    %ne3A_119 = arith.constant 0 : i32
    %ne3A_120 = arith.cmpi ne, %rem3A_118, %ne3A_119 : i32
    %and3A_121 = arith.andi %ne3A_117, %ne3A_120 : i1
    %sub3A_122 = arith.constant 1 : i32
    %sub3A_123 = arith.subi %div3A_102, %sub3A_122 : i32
    %select_n3A_124 = arith.select %and3A_121, %sub3A_123, %div3A_102 : i32
    %scan3A_125 = arith.constant 0 : i32
    %scan3A_126 = arith.constant 1065353216 : i32
    %scan3A_127 = arith.constant 0 : i32
    %scan3A_128 = arith.constant 31 : i32
    %scan3A_129 = arith.addi %scan3A_127, %scan3A_128 : i32
    %scan3A_130 = arith.constant 1 : i32
    %scan3A_131:2 = scf.for %scan3A_307 = %scan3A_127 to %scan3A_129 step %scan3A_130 iter_args(%scan3A_308 = %scan3A_125, %scan3A_309 = %scan3A_126) -> (i32, i32)  : i32 {
      %lt3A = arith.cmpi slt, %scan3A_308, %scan3A_309 : i32
      %sub3A_310 = arith.subi %scan3A_309, %scan3A_308 : i32
      %shift_right_logical3A = arith.constant 1 : i32
      %shift_right_logical3A_311 = arith.shrui %sub3A_310, %shift_right_logical3A : i32
      %add3A_312 = arith.addi %scan3A_308, %shift_right_logical3A_311 : i32
      %gt3A_313 = vector.broadcast %add3A_312 : i32 to vector<32x4096xi32>
      %gt3A_314 = arith.cmpi sgt, %bitcast_convert_type3A, %gt3A_313 : vector<32x4096xi32>
      %convert_element_type3A_315 = arith.extui %gt3A_314 : vector<32x4096xi1> to vector<32x4096xi32>
      %reduce_sum3A_316 = vector.shape_cast %convert_element_type3A_315 : vector<32x4096xi32> to vector<1x32x4096xi32>
      %reduce_sum3A_317 = arith.constant dense<0> : vector<1xi32>
      %reduce_sum3A_318 = vector.multi_reduction <add>, %reduce_sum3A_316, %reduce_sum3A_317 [1, 2] : vector<1x32x4096xi32> to vector<1xi32>
      %reduce_sum3A_319 = vector.shape_cast %reduce_sum3A_318 : vector<1xi32> to vector<1x1x1xi32>
      %reduce_sum3A_320 = vector.extract %reduce_sum3A_319[0, 0, 0] : i32 from vector<1x1x1xi32>
      %sub3A_321 = arith.constant 1 : i32
      %sub3A_322 = arith.subi %select_n3A_124, %sub3A_321 : i32
      %le3A = arith.cmpi sle, %reduce_sum3A_320, %sub3A_322 : i32
      %and3A_323 = arith.andi %lt3A, %le3A : i1
      %select_n3A_324 = arith.select %and3A_323, %add3A_312, %scan3A_309 : i32
      %not3A = arith.constant true
      %not3A_325 = arith.xori %le3A, %not3A : i1
      %and3A_326 = arith.andi %lt3A, %not3A_325 : i1
      %add3A_327 = arith.constant 1 : i32
      %add3A_328 = arith.addi %add3A_312, %add3A_327 : i32
      %select_n3A_329 = arith.select %and3A_326, %add3A_328, %scan3A_308 : i32
      scf.yield %select_n3A_329, %select_n3A_324 : i32, i32
    }
    %gt3A_132 = vector.broadcast %scan3A_131#0 : i32 to vector<32x4096xi32>
    %gt3A_133 = arith.cmpi sgt, %bitcast_convert_type3A, %gt3A_132 : vector<32x4096xi32>
    %eq3A_134 = vector.broadcast %scan3A_131#0 : i32 to vector<32x4096xi32>
    %eq3A_135 = arith.cmpi eq, %bitcast_convert_type3A, %eq3A_134 : vector<32x4096xi32>
    %convert_element_type3A_136 = arith.extui %gt3A_133 : vector<32x4096xi1> to vector<32x4096xi32>
    %convert_element_type3A_137 = arith.sitofp %convert_element_type3A_136 : vector<32x4096xi32> to vector<32x4096xf32>
    %reduce_sum3A_138 = vector.shape_cast %convert_element_type3A_137 : vector<32x4096xf32> to vector<1x32x4096xf32>
    %reduce_sum3A_139 = arith.constant dense<0.000000e+00> : vector<1xf32>
    %reduce_sum3A_140 = vector.multi_reduction <add>, %reduce_sum3A_138, %reduce_sum3A_139 [1, 2] : vector<1x32x4096xf32> to vector<1xf32>
    %reduce_sum3A_141 = vector.shape_cast %reduce_sum3A_140 : vector<1xf32> to vector<1x1x1xf32>
    %reduce_sum3A_142 = vector.extract %reduce_sum3A_141[0, 0, 0] : f32 from vector<1x1x1xf32>
    %jit3A_143 = arith.constant 0.000000e+00 : f32
    %broadcast_in_dim3A_144 = vector.broadcast %jit3A_143 : f32 to vector<32x4096xf32>
    %select_n3A_145 = arith.select %gt3A_133, %convert_element_type3A_11, %broadcast_in_dim3A_144 : vector<32x4096xi1>, vector<32x4096xf32>
    %reduce_sum3A_146 = vector.shape_cast %select_n3A_145 : vector<32x4096xf32> to vector<1x32x4096xf32>
    %reduce_sum3A_147 = arith.constant dense<0.000000e+00> : vector<1xf32>
    %reduce_sum3A_148 = vector.multi_reduction <add>, %reduce_sum3A_146, %reduce_sum3A_147 [1, 2] : vector<1x32x4096xf32> to vector<1xf32>
    %reduce_sum3A_149 = vector.shape_cast %reduce_sum3A_148 : vector<1xf32> to vector<1x1x1xf32>
    %reduce_sum3A_150 = vector.extract %reduce_sum3A_149[0, 0, 0] : f32 from vector<1x1x1xf32>
    %convert_element_type3A_151 = arith.extui %eq3A_135 : vector<32x4096xi1> to vector<32x4096xi32>
    %convert_element_type3A_152 = arith.sitofp %convert_element_type3A_151 : vector<32x4096xi32> to vector<32x4096xf32>
    %reduce_sum3A_153 = vector.shape_cast %convert_element_type3A_152 : vector<32x4096xf32> to vector<1x32x4096xf32>
    %reduce_sum3A_154 = arith.constant dense<0.000000e+00> : vector<1xf32>
    %reduce_sum3A_155 = vector.multi_reduction <add>, %reduce_sum3A_153, %reduce_sum3A_154 [1, 2] : vector<1x32x4096xf32> to vector<1xf32>
    %reduce_sum3A_156 = vector.shape_cast %reduce_sum3A_155 : vector<1xf32> to vector<1x1x1xf32>
    %reduce_sum3A_157 = vector.extract %reduce_sum3A_156[0, 0, 0] : f32 from vector<1x1x1xf32>
    %jit3A_158 = arith.constant 0.000000e+00 : f32
    %broadcast_in_dim3A_159 = vector.broadcast %jit3A_158 : f32 to vector<32x4096xf32>
    %select_n3A_160 = arith.select %eq3A_135, %convert_element_type3A_11, %broadcast_in_dim3A_159 : vector<32x4096xi1>, vector<32x4096xf32>
    %reduce_sum3A_161 = vector.shape_cast %select_n3A_160 : vector<32x4096xf32> to vector<1x32x4096xf32>
    %reduce_sum3A_162 = arith.constant dense<0.000000e+00> : vector<1xf32>
    %reduce_sum3A_163 = vector.multi_reduction <add>, %reduce_sum3A_161, %reduce_sum3A_162 [1, 2] : vector<1x32x4096xf32> to vector<1xf32>
    %reduce_sum3A_164 = vector.shape_cast %reduce_sum3A_163 : vector<1xf32> to vector<1x1x1xf32>
    %reduce_sum3A_165 = vector.extract %reduce_sum3A_164[0, 0, 0] : f32 from vector<1x1x1xf32>
    %convert_element_type3A_166 = arith.sitofp %select_n3A_124 : i32 to f32
    %sub3A_167 = arith.subf %convert_element_type3A_166, %reduce_sum3A_142 : f32
    %jit3A_168 = arith.constant 0.000000e+00 : f32
    %max3A_169 = arith.maximumf %jit3A_168, %sub3A_167 : f32
    %min3A_170 = arith.minimumf %reduce_sum3A_157, %max3A_169 : f32
    %gt3A_171 = arith.constant 0.000000e+00 : f32
    %gt3A_172 = arith.cmpf ogt, %reduce_sum3A_157, %gt3A_171 : f32
    %mul3A_173 = arith.mulf %min3A_170, %reduce_sum3A_165 : f32
    %max3A_174 = arith.constant 1.000000e+00 : f32
    %max3A_175 = arith.maximumf %reduce_sum3A_157, %max3A_174 : f32
    %div3A_176 = arith.divf %mul3A_173, %max3A_175 : f32
    %jit3A_177 = arith.constant 0.000000e+00 : f32
    %select_n3A_178 = arith.select %gt3A_172, %div3A_176, %jit3A_177 : f32
    %add3A_179 = arith.addf %reduce_sum3A_150, %select_n3A_178 : f32
    %eq3A_180 = arith.constant 1 : i32
    %eq3A_181 = vector.broadcast %eq3A_180 : i32 to vector<8x128xi32>
    %eq3A_182 = arith.cmpi eq, %iota3A_14, %eq3A_181 : vector<8x128xi32>
    %eq3A_183 = arith.constant 0 : i32
    %eq3A_184 = vector.broadcast %eq3A_183 : i32 to vector<8x128xi32>
    %eq3A_185 = arith.cmpi eq, %iota3A, %eq3A_184 : vector<8x128xi32>
    %and3A_186 = arith.andi %eq3A_185, %eq3A_182 : vector<8x128xi1>
    %jit3A_187 = arith.constant 0.000000e+00 : f32
    %broadcast_in_dim3A_188 = vector.broadcast %add3A_179 : f32 to vector<8x128xf32>
    %broadcast_in_dim3A_189 = vector.broadcast %jit3A_187 : f32 to vector<8x128xf32>
    %select_n3A_190 = arith.select %and3A_186, %broadcast_in_dim3A_188, %broadcast_in_dim3A_189 : vector<8x128xi1>, vector<8x128xf32>
    %add3A_191 = arith.addf %add3A_100, %select_n3A_190 : vector<8x128xf32>
    %eq3A_192 = arith.constant 1 : i32
    %eq3A_193 = vector.broadcast %eq3A_192 : i32 to vector<8x128xi32>
    %eq3A_194 = arith.cmpi eq, %iota3A, %eq3A_193 : vector<8x128xi32>
    %and3A_195 = arith.andi %eq3A_194, %eq3A_182 : vector<8x128xi1>
    %jit3A_196 = arith.constant 0.000000e+00 : f32
    %broadcast_in_dim3A_197 = vector.broadcast %convert_element_type3A_166 : f32 to vector<8x128xf32>
    %broadcast_in_dim3A_198 = vector.broadcast %jit3A_196 : f32 to vector<8x128xf32>
    %select_n3A_199 = arith.select %and3A_195, %broadcast_in_dim3A_197, %broadcast_in_dim3A_198 : vector<8x128xi1>, vector<8x128xf32>
    %add3A_200 = arith.addf %add3A_191, %select_n3A_199 : vector<8x128xf32>
    %jit3A_201 = arith.constant 5 : i32
    %div3A_202 = arith.divsi %get3A_13, %jit3A_201 : i32
    %sign3A_203 = arith.constant 0 : i32
    %sign3A_204 = arith.cmpi sgt, %get3A_13, %sign3A_203 : i32
    %sign3A_205 = arith.extui %sign3A_204 : i1 to i32
    %sign3A_206 = arith.constant 0 : i32
    %sign3A_207 = arith.cmpi slt, %get3A_13, %sign3A_206 : i32
    %sign3A_208 = arith.extui %sign3A_207 : i1 to i32
    %sign3A_209 = arith.subi %sign3A_205, %sign3A_208 : i32
    %sign3A_210 = arith.constant 0 : i32
    %sign3A_211 = arith.cmpi sgt, %jit3A_201, %sign3A_210 : i32
    %sign3A_212 = arith.extui %sign3A_211 : i1 to i32
    %sign3A_213 = arith.constant 0 : i32
    %sign3A_214 = arith.cmpi slt, %jit3A_201, %sign3A_213 : i32
    %sign3A_215 = arith.extui %sign3A_214 : i1 to i32
    %sign3A_216 = arith.subi %sign3A_212, %sign3A_215 : i32
    %ne3A_217 = arith.cmpi ne, %sign3A_209, %sign3A_216 : i32
    %rem3A_218 = arith.remsi %get3A_13, %jit3A_201 : i32
    %ne3A_219 = arith.constant 0 : i32
    %ne3A_220 = arith.cmpi ne, %rem3A_218, %ne3A_219 : i32
    %and3A_221 = arith.andi %ne3A_217, %ne3A_220 : i1
    %sub3A_222 = arith.constant 1 : i32
    %sub3A_223 = arith.subi %div3A_202, %sub3A_222 : i32
    %select_n3A_224 = arith.select %and3A_221, %sub3A_223, %div3A_202 : i32
    %scan3A_225 = arith.constant 0 : i32
    %scan3A_226 = arith.constant 1065353216 : i32
    %scan3A_227 = arith.constant 0 : i32
    %scan3A_228 = arith.constant 31 : i32
    %scan3A_229 = arith.addi %scan3A_227, %scan3A_228 : i32
    %scan3A_230 = arith.constant 1 : i32
    %scan3A_231:2 = scf.for %scan3A_307 = %scan3A_227 to %scan3A_229 step %scan3A_230 iter_args(%scan3A_308 = %scan3A_225, %scan3A_309 = %scan3A_226) -> (i32, i32)  : i32 {
      %lt3A = arith.cmpi slt, %scan3A_308, %scan3A_309 : i32
      %sub3A_310 = arith.subi %scan3A_309, %scan3A_308 : i32
      %shift_right_logical3A = arith.constant 1 : i32
      %shift_right_logical3A_311 = arith.shrui %sub3A_310, %shift_right_logical3A : i32
      %add3A_312 = arith.addi %scan3A_308, %shift_right_logical3A_311 : i32
      %gt3A_313 = vector.broadcast %add3A_312 : i32 to vector<32x4096xi32>
      %gt3A_314 = arith.cmpi sgt, %bitcast_convert_type3A, %gt3A_313 : vector<32x4096xi32>
      %convert_element_type3A_315 = arith.extui %gt3A_314 : vector<32x4096xi1> to vector<32x4096xi32>
      %reduce_sum3A_316 = vector.shape_cast %convert_element_type3A_315 : vector<32x4096xi32> to vector<1x32x4096xi32>
      %reduce_sum3A_317 = arith.constant dense<0> : vector<1xi32>
      %reduce_sum3A_318 = vector.multi_reduction <add>, %reduce_sum3A_316, %reduce_sum3A_317 [1, 2] : vector<1x32x4096xi32> to vector<1xi32>
      %reduce_sum3A_319 = vector.shape_cast %reduce_sum3A_318 : vector<1xi32> to vector<1x1x1xi32>
      %reduce_sum3A_320 = vector.extract %reduce_sum3A_319[0, 0, 0] : i32 from vector<1x1x1xi32>
      %sub3A_321 = arith.constant 1 : i32
      %sub3A_322 = arith.subi %select_n3A_224, %sub3A_321 : i32
      %le3A = arith.cmpi sle, %reduce_sum3A_320, %sub3A_322 : i32
      %and3A_323 = arith.andi %lt3A, %le3A : i1
      %select_n3A_324 = arith.select %and3A_323, %add3A_312, %scan3A_309 : i32
      %not3A = arith.constant true
      %not3A_325 = arith.xori %le3A, %not3A : i1
      %and3A_326 = arith.andi %lt3A, %not3A_325 : i1
      %add3A_327 = arith.constant 1 : i32
      %add3A_328 = arith.addi %add3A_312, %add3A_327 : i32
      %select_n3A_329 = arith.select %and3A_326, %add3A_328, %scan3A_308 : i32
      scf.yield %select_n3A_329, %select_n3A_324 : i32, i32
    }
    %gt3A_232 = vector.broadcast %scan3A_231#0 : i32 to vector<32x4096xi32>
    %gt3A_233 = arith.cmpi sgt, %bitcast_convert_type3A, %gt3A_232 : vector<32x4096xi32>
    %eq3A_234 = vector.broadcast %scan3A_231#0 : i32 to vector<32x4096xi32>
    %eq3A_235 = arith.cmpi eq, %bitcast_convert_type3A, %eq3A_234 : vector<32x4096xi32>
    %convert_element_type3A_236 = arith.extui %gt3A_233 : vector<32x4096xi1> to vector<32x4096xi32>
    %convert_element_type3A_237 = arith.sitofp %convert_element_type3A_236 : vector<32x4096xi32> to vector<32x4096xf32>
    %reduce_sum3A_238 = vector.shape_cast %convert_element_type3A_237 : vector<32x4096xf32> to vector<1x32x4096xf32>
    %reduce_sum3A_239 = arith.constant dense<0.000000e+00> : vector<1xf32>
    %reduce_sum3A_240 = vector.multi_reduction <add>, %reduce_sum3A_238, %reduce_sum3A_239 [1, 2] : vector<1x32x4096xf32> to vector<1xf32>
    %reduce_sum3A_241 = vector.shape_cast %reduce_sum3A_240 : vector<1xf32> to vector<1x1x1xf32>
    %reduce_sum3A_242 = vector.extract %reduce_sum3A_241[0, 0, 0] : f32 from vector<1x1x1xf32>
    %jit3A_243 = arith.constant 0.000000e+00 : f32
    %broadcast_in_dim3A_244 = vector.broadcast %jit3A_243 : f32 to vector<32x4096xf32>
    %select_n3A_245 = arith.select %gt3A_233, %convert_element_type3A_11, %broadcast_in_dim3A_244 : vector<32x4096xi1>, vector<32x4096xf32>
    %reduce_sum3A_246 = vector.shape_cast %select_n3A_245 : vector<32x4096xf32> to vector<1x32x4096xf32>
    %reduce_sum3A_247 = arith.constant dense<0.000000e+00> : vector<1xf32>
    %reduce_sum3A_248 = vector.multi_reduction <add>, %reduce_sum3A_246, %reduce_sum3A_247 [1, 2] : vector<1x32x4096xf32> to vector<1xf32>
    %reduce_sum3A_249 = vector.shape_cast %reduce_sum3A_248 : vector<1xf32> to vector<1x1x1xf32>
    %reduce_sum3A_250 = vector.extract %reduce_sum3A_249[0, 0, 0] : f32 from vector<1x1x1xf32>
    %convert_element_type3A_251 = arith.extui %eq3A_235 : vector<32x4096xi1> to vector<32x4096xi32>
    %convert_element_type3A_252 = arith.sitofp %convert_element_type3A_251 : vector<32x4096xi32> to vector<32x4096xf32>
    %reduce_sum3A_253 = vector.shape_cast %convert_element_type3A_252 : vector<32x4096xf32> to vector<1x32x4096xf32>
    %reduce_sum3A_254 = arith.constant dense<0.000000e+00> : vector<1xf32>
    %reduce_sum3A_255 = vector.multi_reduction <add>, %reduce_sum3A_253, %reduce_sum3A_254 [1, 2] : vector<1x32x4096xf32> to vector<1xf32>
    %reduce_sum3A_256 = vector.shape_cast %reduce_sum3A_255 : vector<1xf32> to vector<1x1x1xf32>
    %reduce_sum3A_257 = vector.extract %reduce_sum3A_256[0, 0, 0] : f32 from vector<1x1x1xf32>
    %jit3A_258 = arith.constant 0.000000e+00 : f32
    %broadcast_in_dim3A_259 = vector.broadcast %jit3A_258 : f32 to vector<32x4096xf32>
    %select_n3A_260 = arith.select %eq3A_235, %convert_element_type3A_11, %broadcast_in_dim3A_259 : vector<32x4096xi1>, vector<32x4096xf32>
    %reduce_sum3A_261 = vector.shape_cast %select_n3A_260 : vector<32x4096xf32> to vector<1x32x4096xf32>
    %reduce_sum3A_262 = arith.constant dense<0.000000e+00> : vector<1xf32>
    %reduce_sum3A_263 = vector.multi_reduction <add>, %reduce_sum3A_261, %reduce_sum3A_262 [1, 2] : vector<1x32x4096xf32> to vector<1xf32>
    %reduce_sum3A_264 = vector.shape_cast %reduce_sum3A_263 : vector<1xf32> to vector<1x1x1xf32>
    %reduce_sum3A_265 = vector.extract %reduce_sum3A_264[0, 0, 0] : f32 from vector<1x1x1xf32>
    %convert_element_type3A_266 = arith.sitofp %select_n3A_224 : i32 to f32
    %sub3A_267 = arith.subf %convert_element_type3A_266, %reduce_sum3A_242 : f32
    %jit3A_268 = arith.constant 0.000000e+00 : f32
    %max3A_269 = arith.maximumf %jit3A_268, %sub3A_267 : f32
    %min3A_270 = arith.minimumf %reduce_sum3A_257, %max3A_269 : f32
    %gt3A_271 = arith.constant 0.000000e+00 : f32
    %gt3A_272 = arith.cmpf ogt, %reduce_sum3A_257, %gt3A_271 : f32
    %mul3A_273 = arith.mulf %min3A_270, %reduce_sum3A_265 : f32
    %max3A_274 = arith.constant 1.000000e+00 : f32
    %max3A_275 = arith.maximumf %reduce_sum3A_257, %max3A_274 : f32
    %div3A_276 = arith.divf %mul3A_273, %max3A_275 : f32
    %jit3A_277 = arith.constant 0.000000e+00 : f32
    %select_n3A_278 = arith.select %gt3A_272, %div3A_276, %jit3A_277 : f32
    %add3A_279 = arith.addf %reduce_sum3A_250, %select_n3A_278 : f32
    %eq3A_280 = arith.constant 2 : i32
    %eq3A_281 = vector.broadcast %eq3A_280 : i32 to vector<8x128xi32>
    %eq3A_282 = arith.cmpi eq, %iota3A_14, %eq3A_281 : vector<8x128xi32>
    %eq3A_283 = arith.constant 0 : i32
    %eq3A_284 = vector.broadcast %eq3A_283 : i32 to vector<8x128xi32>
    %eq3A_285 = arith.cmpi eq, %iota3A, %eq3A_284 : vector<8x128xi32>
    %and3A_286 = arith.andi %eq3A_285, %eq3A_282 : vector<8x128xi1>
    %jit3A_287 = arith.constant 0.000000e+00 : f32
    %broadcast_in_dim3A_288 = vector.broadcast %add3A_279 : f32 to vector<8x128xf32>
    %broadcast_in_dim3A_289 = vector.broadcast %jit3A_287 : f32 to vector<8x128xf32>
    %select_n3A_290 = arith.select %and3A_286, %broadcast_in_dim3A_288, %broadcast_in_dim3A_289 : vector<8x128xi1>, vector<8x128xf32>
    %add3A_291 = arith.addf %add3A_200, %select_n3A_290 : vector<8x128xf32>
    %eq3A_292 = arith.constant 1 : i32
    %eq3A_293 = vector.broadcast %eq3A_292 : i32 to vector<8x128xi32>
    %eq3A_294 = arith.cmpi eq, %iota3A, %eq3A_293 : vector<8x128xi32>
    %and3A_295 = arith.andi %eq3A_294, %eq3A_282 : vector<8x128xi1>
    %jit3A_296 = arith.constant 0.000000e+00 : f32
    %broadcast_in_dim3A_297 = vector.broadcast %convert_element_type3A_266 : f32 to vector<8x128xf32>
    %broadcast_in_dim3A_298 = vector.broadcast %jit3A_296 : f32 to vector<8x128xf32>
    %select_n3A_299 = arith.select %and3A_295, %broadcast_in_dim3A_297, %broadcast_in_dim3A_298 : vector<8x128xi1>, vector<8x128xf32>
    %add3A_300 = arith.addf %add3A_291, %select_n3A_299 : vector<8x128xf32>
    %get3A_301 = arith.constant 0 : index
    %get3A_302 = arith.constant 0 : index
    %get3A_303 = vector.load %arg4[%get3A_301, %get3A_302] : memref<8x128xf32, #tpu.memory_space<vmem>>, vector<8x128xf32>
    %add3A_304 = arith.addf %get3A_303, %add3A_300 : vector<8x128xf32>
    %swap3A = arith.constant 0 : index
    %swap3A_305 = arith.constant 0 : index
    %swap3A_306 = vector.load %arg4[%swap3A, %swap3A_305] : memref<8x128xf32, #tpu.memory_space<vmem>>, vector<8x128xf32>
    tpu.vector_store %arg4[%swap3A, %swap3A_305], %add3A_304 {strides = array<i32>} : memref<8x128xf32, #tpu.memory_space<vmem>>, vector<8x128xf32>,
    return
  }
  func.func @transform_0(%arg0: i32) -> i32 {
    %c0_i32 = arith.constant 0 : i32
    %c0_i32_0 = arith.constant 0 : i32
    return %c0_i32 : i32
  }
  func.func @transform_1(%arg0: i32) -> (i32, i32, i32) {
    %c0_i32 = arith.constant 0 : i32
    %c0_i32_0 = arith.constant 0 : i32
    %c0_i32_1 = arith.constant 0 : i32
    return %arg0, %c0_i32, %c0_i32_0 : i32, i32, i32
  }
  func.func @transform_2(%arg0: i32) -> (i32, i32, i32) {
    %c0_i32 = arith.constant 0 : i32
    %c0_i32_0 = arith.constant 0 : i32
    %c0_i32_1 = arith.constant 0 : i32
    return %arg0, %c0_i32, %c0_i32_0 : i32, i32, i32
  }
  func.func @transform_3(%arg0: i32) -> (i32, i32) {
    %c0_i32 = arith.constant 0 : i32
    %c0_i32_0 = arith.constant 0 : i32
    %c0_i32_1 = arith.constant 0 : i32
    return %c0_i32, %c0_i32_0 : i32, i32
  }
}

</mosaic_0001>

<sc_bundles>
// kernel: kernel.5.cloned.1.call-start
scs
__scs_entry_jumppad:
0x0: {  	(pc) =	sbr.rel $0x88, $3  }
0x1: {  	(tag) =	ssettag $0x0;
	lr =	simm.s32 $0x1  }
0x2: {  	[smem:$0x3F9E] =	sst lr;
	_ =	strace $0xD0000000  }
0x3: {  	_ = 	snop  }
0x4: {  	_ = 	snop  }
0x5: {  	_ = 	snop  }
0x6: {  	_ = 	snop  }
0x7: {  	_ = 	snop  }
__scs_overlays_trampoline_lowered:
0x8: {  	[smem:$0x3FAD] =	sst s0  }
0x9: {  	[smem:$0x3FAE] =	sst s1  }
0xa: {  	[smem:$0x3FAF] =	sst s2  }
0xb: {  	[smem:$0x3FB0] =	sst s3  }
0xc: {  	[smem:$0x3FB1] =	sst s4  }
0xd: {  	[smem:$0x3FB2] =	sst s5  }
0xe: {  	[smem:$0x3FB3] =	sst s6  }
0xf: {  	[smem:$0x3FB4] =	sst s7  }
0x10: {  	[smem:$0x3FB5] =	sst s8  }
0x11: {  	[smem:$0x3FB6] =	sst s9;
	s0 =	simm.s32 @!p0 $0x0  }
0x12: {  	s1 =	sld [smem:$0x3F9C];
	s0 =	simm.s32 @p0 $0x1  }
0x13: {  	[smem:$0x3FB7] =	sst s0;
	s0 =	simm.s32 @!p1 $0x0  }
0x14: {  	s2 =	sld [smem:$0x3F9B];
	s0 =	simm.s32 @p1 $0x1  }
0x15: {  	[smem:$0x3FB8] =	sst s0;
	s0 =	simm.s32 @!p2 $0x0  }
0x16: {  	s3 =	sld [smem:$0x3FDB];
	s0 =	simm.s32 @p2 $0x1  }
0x17: {  	s4 =	simm.s32 $0x1BF5;
	[smem:$0x3FBA] =	sst s0  }
0x18: {  	s0 =	sld [smem:$0x3F9D];
	_ =	swait.ge [sflag:s4], $0x0  }
0x19: {  	s7 =	sld [smem:$0x3F9E]  }
0x1a: {  	s8 =	sadd.s32 $0xFFFFE003, lr  }
0x1b: {  	s9 =	sadd.s32 $0xFFFFFEF7, lr;
	s5 =	simm.s32 $0xFFFFFFFF;
	p2 =	slt.u32 s8, $0xFFFFF086  }
0x1c: {  	p1 =	slt.u32 s9, $0xF7A;
	s5 =	simm.s32 @!p2 $0x0  }
0x1d: {  	s5 =	simm.s32 @p1 $0x1;
	p0 =	seq.s32 s7, s2  }
0x1e: {  	s7 =	smul.u32 @!p0 $0xF7A, s2;
	p2 =	seq.s32 @!p0 s5, $0x0  }
0x1f: {  	s9 =	smul.u32 $0xF7A, s1;
	s8 =	simm.s32 @!p0 $0x1BF5;
	p2 =	por !p2, p0  }
0x20: {  	[sflag:s8] =	ssyncset.s32 @!p0 $0xFFFFF086;
	s6 =	sadd.s32 @!p0 s3, s7;
	s7 =	simm.s32 @!p0 $0x108  }
0x21: {  	s3 =	sadd.s32 s3, s9;
	s6 =	sadd.s32 @!p0 $0x88, s6;
	s7 =	simm.s32 @p2 $0x1082  }
0x22: {  	[simem:s7], [sflag:s8] =	dma.local @!p0 [hbm:s6], $0xF7A  }
0x23: {  	s9 =	sor.u32 $0xD0000000, s2;
	s6 =	simm.s32 $0x108;
	_ =	swait.ge @!p0 [sflag:s8], $0x0  }
0x24: {  	s3 =	sadd.s32 $0x88, s3;
	s6 =	simm.s32 @!p1 $0x1082;
	[sflag:s4] =	ssyncset.s32 $0xFFFFF086  }
0x25: {  	[simem:s6], [sflag:s4] =	dma.local [hbm:s3], $0xF7A  }
0x26: {  	[smem:$0x3F9E] =	sst s1;
	(tag) =	ssettag s2;
	_ =	strace s9  }
0x27: {  	s1 =	sld [smem:$0x3FAE]  }
0x28: {  	s2 =	sld [smem:$0x3FAF]  }
0x29: {  	s4 =	sld [smem:$0x3FB1]  }
0x2a: {  	p0 =	seq.s32 s5, $0x0;
	s5 =	sld [smem:$0x3FB2]  }
0x2b: {  	s6 =	sld [smem:$0x3FB3]  }
0x2c: {  	s7 =	sld [smem:$0x3FB4]  }
0x2d: {  	s3 =	simm.s32 $0x108;
	s8 =	sld [smem:$0x3FB5]  }
0x2e: {  	s3 =	simm.s32 @!p0 $0x1082;
	s9 =	sld [smem:$0x3FB6]  }
0x2f: {  	lr =	sadd.s32 s0, s3;
	s0 =	sld [smem:$0x3FAD]  }
0x30: {  	s3 =	sld [smem:$0x3FB0]  }
0x31: {  	[smem:$0x3FB9] =	sst s10  }
0x32: {  	s10 =	sld [smem:$0x3FB7];
	_ =	sdelay $0x3  }
0x33: {  	p0 =	seq.s32 s10, $0x1;
	s10 =	sld [smem:$0x3FB9];
	_ =	sdelay $0x3  }
0x34: {  	[smem:$0x3FB9] =	sst s10  }
0x35: {  	s10 =	sld [smem:$0x3FB8];
	_ =	sdelay $0x3  }
0x36: {  	p1 =	seq.s32 s10, $0x1;
	s10 =	sld [smem:$0x3FB9];
	_ =	sdelay $0x3  }
0x37: {  	[smem:$0x3FB9] =	sst s10  }
0x38: {  	s10 =	sld [smem:$0x3FBA]  }
0x39: {  	_ = 	snop;
	(pc) =	sbr.ind lr, $3  }
0x3a: {  	_ = 	snop  }
0x3b: {  	_ = 	snop  }
0x3c: {  	p2 =	seq.s32 s10, $0x1;
	s10 =	sld [smem:$0x3FB9]  }
0x3d: {  	_ =	shalt  }
0x3e: {  	_ =	shalt  }
0x3f: {  	_ =	shalt  }
0x40: {  	_ =	shalt  }
0x41: {  	_ =	shalt  }
0x42: {  	_ =	shalt  }
0x43: {  	_ =	shalt  }
0x44: {  	_ =	shalt  }
0x45: {  	_ =	shalt  }
0x46: {  	_ =	shalt  }
0x47: {  	_ =	shalt  }
0x48: {  	_ =	shalt  }
0x49: {  	_ =	shalt  }
0x4a: {  	_ =	shalt  }
0x4b: {  	_ =	shalt  }
0x4c: {  	_ =	shalt  }
0x4d: {  	_ =	shalt  }
0x4e: {  	_ =	shalt  }
0x4f: {  	_ =	shalt  }
0x50: {  	_ =	shalt  }
0x51: {  	_ =	shalt  }
0x52: {  	_ =	shalt  }
0x53: {  	_ =	shalt  }
0x54: {  	_ =	shalt  }
0x55: {  	_ =	shalt  }
0x56: {  	_ =	shalt  }
0x57: {  	_ =	shalt  }
0x58: {  	_ =	shalt  }
0x59: {  	_ =	shalt  }
0x5a: {  	_ =	shalt  }
0x5b: {  	_ =	shalt  }
0x5c: {  	_ =	shalt  }
0x5d: {  	_ =	shalt  }
0x5e: {  	_ =	shalt  }
0x5f: {  	_ =	shalt  }
0x60: {  	_ =	shalt  }
0x61: {  	_ =	shalt  }
0x62: {  	_ =	shalt  }
0x63: {  	_ =	shalt  }
0x64: {  	_ =	shalt  }
0x65: {  	_ =	shalt  }
0x66: {  	_ =	shalt  }
0x67: {  	_ =	shalt  }
0x68: {  	_ =	shalt  }
0x69: {  	_ =	shalt  }
0x6a: {  	_ =	shalt  }
0x6b: {  	_ =	shalt  }
0x6c: {  	_ =	shalt  }
0x6d: {  	_ =	shalt  }
0x6e: {  	_ =	shalt  }
0x6f: {  	_ =	shalt  }
0x70: {  	_ =	shalt  }
0x71: {  	_ =	shalt  }
0x72: {  	_ =	shalt  }
0x73: {  	_ =	shalt  }
0x74: {  	_ =	shalt  }
0x75: {  	_ =	shalt  }
0x76: {  	_ =	shalt  }
0x77: {  	_ =	shalt  }
0x78: {  	_ =	shalt  }
0x79: {  	_ =	shalt  }
0x7a: {  	_ =	shalt  }
0x7b: {  	_ =	shalt  }
0x7c: {  	_ =	shalt  }
0x7d: {  	_ =	shalt  }
0x7e: {  	_ =	shalt  }
0x7f: {  	_ =	shalt  }
0x80: {  	_ =	shalt  }
0x81: {  	_ =	shalt  }
0x82: {  	_ =	shalt  }
0x83: {  	_ =	shalt  }
0x84: {  	_ =	shalt  }
0x85: {  	_ =	shalt  }
0x86: {  	_ =	shalt  }
0x87: {  	_ =	shalt  }
.Lfunc_end0:
.L_simem_size_0:
called_computation.2_lowered:
.L_overlay_start_0:
0x88: {  	s2 =	sld [smem:$0x3FD9]  }
0x89: {  	s3 =	sld [smem:$0x3FFE];
	_ =	sdelay $0x1  }
0x8a: {  	s1 =	srdreg.scid  }
0x8b: {  	s0 =	sand.u32 $0x1, s1  }
0x8c: {  	s14 =	sshll.u32 s0, $0xA;
	s2 =	sadd.s32 s3, s2  }
0x8d: {  	s2 =	sadd.s32 s2, s14  }
0x8e: {  	[smem:$0x3FC5] =	sst s2  }
0x8f: {  	_ = 	snop  }
0x90: {  	s2 =	sld [smem:$0x3FD0];
	_ =	sdelay $0x2  }
0x91: {  	s15 =	simm.s32 $0xB;
	s4 =	simm.s32 $0x10  }
0x92: {  	[smem:s4], [sflag:s15] =	dma.local [hbm:s2], $0x1  }
0x93: {  	_ =	swait.eq [sflag:s15], $0x1  }
0x94: {  	[sflag:s15] =	ssyncset.done $0x0  }
0x95: {  	[sflag:s15] =	ssyncadd.s32 $0xFFFFFFFF  }
0x96: {  	s16 =	sld [smem:$0x14];
	(tm) =	ssettm $0x1  }
0x97: {  	s17 =	sld [smem:$0x3FFB];
	_ =	sdelay $0x3  }
0x98: {  	_ =	strace s17  }
0x99: {  	s3 =	sld [smem:$0x3FFC];
	_ =	sdelay $0x3  }
0x9a: {  	_ =	strace s3  }
0x9b: {  	s3 =	sld [smem:$0x3FFD];
	_ =	sdelay $0x3  }
0x9c: {  	_ =	strace s3  }
0x9d: {  	_ =	strace $0x8FFFFFFF  }
0x9e: {  	s18 =	sld [smem:$0x3FDB];
	_ =	sdelay $0x1  }
0x9f: {  	s19 =	simm.s32 $_scs_section_size  }
0xa0: {  	s5 =	simm.s32 $_size__tile_overlayer_lowered;
	s6 =	simm.s32 $_tile_overlayer_lowered  }
0xa1: {  	s22 =	simm.s32 $0x1BFF;
	s21 =	sshll.u32 s6, $0x1;
	s3 =	sadd.s32 s19, s18  }
0xa2: {  	s7 =	simm.s32 $0x0;
	s20 =	sshll.u32 s5, $0x1;
	s5 =	sadd.s32 s21, s3  }
0xa3: {  	[timem:s7], [sflag:s22] =	dma.local [hbm:s5], s20  }
0xa4: {  	_ =	swait.ge [sflag:s22], s20  }
0xa5: {  	s4 =	ssub.s32 $0x0, s20;
	[sflag:s22] =	ssyncset.done $0x0  }
0xa6: {  	[sflag:s22] =	ssyncadd.s32 s4;
	_ =	sdelay $0x1  }
0xa7: {  	s23 =	simm.s32 $0x1B8B  }
0xa8: {  	_ =	swait.ge [sflag:s23], $0x1  }
0xa9: {  	[sflag:s23] =	ssyncset.done $0x0  }
0xaa: {  	s25 =	simm.s32 $0x1B8E;
	s24 =	sld [smem:$0x3FFE];
	[sflag:s23] =	ssyncadd.s32 $0xFFFFFFFF  }
0xab: {  	s26 =	simm.s32 $execute0_lowered;
	[smem:$0x3FD2] =	sst s25  }
0xac: {  	s5 =	sshll.u32 s26, $0x1;
	_ =	strace $0x8000004C;
	[dreg:$0x1] =	wrdreg $0xFFFFFFFF  }
0xad: {  	s28 =	simm.s32 $_size_execute0_lowered;
	s3 =	sadd.s32 s3, s5;
	[dreg:$0x0] =	wrdreg $0x0  }
0xae: {  	s5 =	sshll.u32 s28, $0x1;
	[dreg:$0x2] =	wrdreg s3  }
0xaf: {  	[dreg:$0x3] =	wrdreg s5  }
0xb0: {  	[dreg:$0x4] =	wrdreg $0xC0  }
0xb1: {  	_ =	task [dreg:s7], $0x5FFFF  }
0xb2: {  	[dreg:$0x1] =	wrdreg $0xFFFFFFFF  }
0xb3: {  	[dreg:$0x0] =	wrdreg $0x60  }
0xb4: {  	[dreg:$0x2] =	wrdreg s24  }
0xb5: {  	[dreg:$0x3] =	wrdreg s16  }
0xb6: {  	[dreg:$0x4] =	wrdreg $0x9  }
0xb7: {  	_ =	task.clear_ibuf [dreg:s7], $0x5FFFF;
	_ =	strace $0x9000004C  }
0xb8: {  	s29 =	simm.s32 $0x9;
	_ =	strace $0x8000004E  }
0xb9: {  	_ =	swait.ge [sflag:s29], $0x1  }
0xba: {  	[sflag:s29] =	ssyncadd.s32 $0xFFFFFFFF  }
0xbb: {  	_ =	strace $0x9000004E  }
0xbc: {  	_ =	sfence  }
0xbd: {  	s30 =	sld [smem:$0x0];
	_ =	sdelay $0x2  }
0xbe: {  	s31 =	sshll.u32 s1, $0xD;
	s1 =	sshrl.u32 s1, $0x2  }
0xbf: {  	s3 =	sand.u32 $0x4000, s31;
	s1 =	sadd.s32 s1, s30  }
0xc0: {  	s0 =	sor.u32 s3, s0;
	s1 =	sshll.u32 s1, $0x11  }
0xc1: {  	s0 =	sor.u32 s1, s0  }
0xc2: {  	s0 =	sadd.s32 $0x8F2B, s0  }
0xc3: {  	[sflag:s0] =	ssyncadd.remote.s32 $0x1  }
0xc4: {  	_ =	sfence.sel $0xFFFF  }
0xc5: {  	[dreg:$0x0] =	wrdreg $0xFFFFFFFF;
	(pc) =	sbr.abs _section_cstart, $3  }
0xc6: {  	[dreg:$0x1] =	wrdreg $0xFFFFFFFF  }
0xc7: {  	_ =	task.clear_ibuf [dreg:s7], $0x2FFFF;
	_ =	strace $0x9FFFFFFF  }
0xc8: {  	(tm) =	ssettm $0x7FFFFFFF  }
0xc9: {  	_ =	shalt  }
tec
execute0_lowered:
.L_overlay_start_1:
0x0: {  	(tag) =	ssettag $0x1  }
0x1: {  	s0 =	rddreg [dreg:$0x0]  }
0x2: {  	s1 =	rddreg [dreg:$0x1]  }
0x3: {  	s3 =	simm.s32 $0x0;
	s2 =	srdreg.scid;
	s17 =	stileid.u32  }
0x4: {  	s19 =	simm.s32 $0x80;
	s20 =	simm.s32 $0x200;
	s21 =	simm.s32 $0x2  }
0x5: {  	s22 =	simm.s32 $0x2000;
	s23 =	simm.s32 $0x3000;
	s24 =	simm.s32 $0x400  }
0x6: {  	s25 =	simm.s32 $0x1000;
	s28 =	simm.s32 $0x1;
	[smem:$0x7FF] =	sst s3  }
0x7: {  	s2 =	sand.u32 $0x1, s2;
	s5 =	sshll.u32 s17, $0x1;
	s6 =	sadd.s32 $0x201A00, s0  }
0x8: {  	s4 =	sadd.s32 $0x1A00, s0;
	s8 =	sshll.u32 s17, $0xA;
	s16 =	sadd.s32 $0x211A00, s0  }
0x9: {  	s11 =	sadd.s32 $0x1A20, s0;
	s14 =	sadd.s32 $0x1A30, s0;
	s31 =	sshll.u32 s17, $0x12  }
0xa: {  	_ =	strace $0x8000004D;
	s5 =	sor.u32 s2, s5;
	s7 =	ssub.s32 $0x2, s2  }
0xb: {  	s2 =	sshll.u32 s2, $0x11;
	s9 =	sshll.u32 s5, $0x4;
	s10 =	sshrl.u32 s7, $0x1  }
0xc: {  	s5 =	sshll.u32 s5, $0x11;
	s8 =	sor.u32 s8, s9;
	s7 =	ssub.s32 s7, s10  }
0xd: {  	s18 =	sor.u32 s2, s31;
	s15 =	sand.u32 $0x3070, s8;
	s17 =	smax.u32 s7, $0x1  }
0xe: {  	s8 =	sadd.s32 s6, s15;
	s26 =	sadd.s32 s16, s15;
	s29 =	sor.u32 $0x4000, s15  }
0xf: {  	s13 =	sor.u32 $0x8000, s15;
	s30 =	sor.u32 $0xC000, s15;
	[dreg:$0x3] =	wrdreg s8  }
0x10: {  	[dreg:$0x4] =	wrdreg s26;
	s8 =	sadd.s32 $0x1A10, s0;
	s9 =	sadd.s32 s6, s29  }
0x11: {  	v0 =	vimm.f32 $0.0e+00;
	v1 =	vimm.s32 $0x0;
	v2 =	vlaneseq.u32;
	s10 =	sadd.s32 s16, s29;
	s12 =	sadd.s32 s6, s13;
	s13 =	sadd.s32 s16, s13  }
0x12: {  	v3 =	vor.u32 $0x400000, v2;
	v4 =	vor.u32 $0x800000, v2;
	v5 =	vor.u32 $0xC00000, v2;
	s15 =	sadd.s32 s6, s30;
	s16 =	sadd.s32 s16, s30;
	s26 =	simm.s32 $0x4000  }
.LBB2_1:
0x13: {  	s0 =	simm.s32 $0x40;
	s2 =	simm.s32 $0x0  }
.LBB2_2:
0x14: {  	p0 =	sne.s32 s0, $0x3FC0;
	[tilespmem:s2+$0x2000] =	vst v0;
	s6 =	smov.u32 s0;
	s0 =	sadd.s32 $0x40, s0  }
.Ltmp0:
0x15: {  	[tilespmem:s2+$0x3000] =	vst v1;
	(pc) =	sbr.rel @p0 .LBB2_2-.Ltmp0, $2  }
0x16: {  	_ =	sdelay $0x2  }
0x17: {  	s2 =	sshra.s32 s6, $0x2  }
0x18: {  	[tilespmem:s2+$0x2000] =	vst v0;
	s29 =	simm.s32 $0x0  }
0x19: {  	[tilespmem:s2+$0x3000] =	vst v1;
	s30 =	smov.u32 s18;
	s0 =	simm.s32 $0x0;
	s31 =	simm.s32 $0x0  }
.LBB2_4:
0x1a: {  	s2 =	sshll.u32 s31, $0xD  }
0x1b: {  	s2 =	sadd.s32 s5, s2  }
0x1c: {  	s2 =	sshrl.u32 s2, $0x1  }
0x1d: {  	s2 =	sadd.s32 s4, s2  }
0x1e: {  	[tilespmem:s29], [sflag:$0x2] =	stream.strided.gather [hbm4b:s2+s19], $0x2000, s20, s19, $0x38;
	[tilespmem:$0x5000] =	vst v63  }
0x1f: {  	_ =	swait.ge [sflag:s21], $0x2000  }
0x20: {  	[sflag:s21] =	ssyncset.done $0x0  }
0x21: {  	s7 =	simm.s32 $0x0;
	[sflag:s21] =	ssyncadd.s32 $0xFFFFE000  }
0x22: {  	v6 =	vld [tilespmem:s7+$0x0];
	_ =	sdelay $0x1  }
0x23: {  	v7 =	vmov s30;
	v8 =	vor.u32 s30, v2  }
0x24: {  	v7 =	vshrl.u32 v7, $0xB;
	v9 =	vand.u32 $0x7FF, v8  }
0x25: {  	v7 =	vsub.s32 v9, v7  }
0x26: {  	vm1 =	vgt.s32 v7, $0x17;
	vm0 =	vgt.f32 v6, $9.800000190e-01  }
0x27: {  	vm0 =	vmand vm1, vm0  }
0x28: {  	v7 =	vsel vm0, $0x1, v1  }
0x29: {  	(xrf0) =	vadd.scan.msk.s32 $0xffff, v7;
	_ =	sdelay $0x2  }
0x2a: {  	v7 =	vmov s0  }
0x2b: {  	v7 =	vadd.s32 $0xFFFFFFFF, v7  }
0x2c: {  	v7 =	vbroadcast v7, $0x0  }
0x2d: {  	v63, _, _ =	vpop (xrf0)  }
0x2e: {  	v7 =	vadd.s32 v63, v7;
	(v2sf) =	vpush v63, $0xF  }
0x2f: {  	vm15 =	vgt.s32 v7, $0x0  }
0x30: {  	v7 =	vnsel vm15, $0x0, v7  }
0x31: {  	v7 =	vmin.u32 v7, $0xFFF;
	_ =	sdelay $0x4  }
0x32: {  	[tilespmem:v7+s22+$0x0] =	vst.idx.msk vm0, v6  }
0x33: {  	s6 =	simm.s32 $0x80;
	s2 =	smov.u32 s30;
	s7 =	simm.s32 $0x10;
	[tilespmem:v7+s23+$0x0] =	vst.idx.msk vm0, v8  }
.LBB2_5:
0x34: {  	p0 =	sne.s32 s6, $0x7FC0;
	v6 =	vld [tilespmem:s7+$0x0]  }
0x35: {  	s2 =	sadd.s32 $0x10, s2  }
0x36: {  	v7 =	vmov s2;
	v8 =	vor.u32 s2, v2  }
0x37: {  	v7 =	vshrl.u32 v7, $0xB;
	v9 =	vand.u32 $0x7FF, v8  }
0x38: {  	v7 =	vsub.s32 v9, v7  }
0x39: {  	vm1 =	vgt.s32 v7, $0x17;
	vm0 =	vgt.f32 v6, $9.800000190e-01;
	s7 =	spop (v2sf)  }
0x3a: {  	vm0 =	vmand vm1, vm0;
	s0 =	sadd.s32 s0, s7  }
0x3b: {  	v7 =	vsel vm0, $0x1, v1;
	p1 =	slt.s32 s0, $0x1000  }
0x3c: {  	(xrf0) =	vadd.scan.msk.s32 $0xffff, v7;
	s0 =	simm.s32 @!p1 $0x1000  }
0x3d: {  	v7 =	vmov s0  }
0x3e: {  	v7 =	vadd.s32 $0xFFFFFFFF, v7  }
0x3f: {  	v7 =	vbroadcast v7, $0x0;
	_ =	sdelay $0x2  }
0x40: {  	v9, _, _ =	vpop (xrf0)  }
0x41: {  	v7 =	vadd.s32 v9, v7;
	(v2sf) =	vpush v9, $0xF  }
0x42: {  	vm1 =	vgt.s32 v7, $0x0  }
0x43: {  	v7 =	vnsel vm1, $0x0, v7  }
0x44: {  	v7 =	vmin.u32 v7, $0xFFF;
	_ =	sdelay $0x1  }
.Ltmp1:
0x45: {  	(pc) =	sbr.rel @p0 .LBB2_5-.Ltmp1, $3  }
0x46: {  	_ =	sdelay $0x1  }
0x47: {  	[tilespmem:v7+s22+$0x0] =	vst.idx.msk vm0, v6  }
0x48: {  	s7 =	sshra.s32 s6, $0x2;
	s6 =	sadd.s32 $0x40, s6;
	[tilespmem:v7+s23+$0x0] =	vst.idx.msk vm0, v8  }
0x49: {  	v6 =	vld [tilespmem:s7+$0x0]  }
0x4a: {  	s2 =	sadd.s32 $0x10, s2  }
0x4b: {  	v7 =	vmov s2;
	v8 =	vor.u32 s2, v2  }
0x4c: {  	v7 =	vshrl.u32 v7, $0xB;
	v9 =	vand.u32 $0x7FF, v8  }
0x4d: {  	v7 =	vsub.s32 v9, v7  }
0x4e: {  	vm1 =	vgt.s32 v7, $0x17;
	vm0 =	vgt.f32 v6, $9.800000190e-01  }
0x4f: {  	vm0 =	vmand vm1, vm0  }
0x50: {  	v7 =	vsel vm0, $0x1, v1  }
0x51: {  	(xrf0) =	vadd.scan.msk.s32 $0xffff, v7;
	_ =	sdelay $0x5  }
0x52: {  	v7, _, _ =	vpop (xrf0)  }
0x53: {  	(v2sf) =	vpush v7, $0xF  }
0x54: {  	s6 =	spop (v2sf)  }
0x55: {  	s0 =	sadd.s32 s0, s6  }
0x56: {  	p0 =	slt.s32 s0, $0x1000  }
0x57: {  	s0 =	simm.s32 @!p0 $0x1000  }
0x58: {  	v63 =	vmov s0  }
0x59: {  	v9 =	vadd.s32 $0xFFFFFFFF, v63  }
0x5a: {  	v9 =	vbroadcast v9, $0x0;
	_ =	sdelay $0x1  }
0x5b: {  	v7 =	vadd.s32 v7, v9  }
0x5c: {  	vm15 =	vgt.s32 v7, $0x0  }
0x5d: {  	v7 =	vnsel vm15, $0x0, v7  }
0x5e: {  	s31 =	sadd.s32 $0x1, s31;
	v7 =	vmin.u32 v7, $0xFFF  }
0x5f: {  	p1 =	sne.s32 s31, $0x10  }
.Ltmp2:
0x60: {  	_ = 	snop;
	(pc) =	sbr.rel @p1 .LBB2_4-.Ltmp2, $4  }
0x61: {  	s7 =	spop (v2sf)  }
0x62: {  	s0 =	sadd.s32 s0, s7  }
0x63: {  	[tilespmem:v7+s22+$0x0] =	vst.idx.msk vm0, v6;
	p0 =	slt.s32 s0, $0x1000  }
0x64: {  	s30 =	sadd.s32 $0x2000, s30;
	[tilespmem:v7+s23+$0x0] =	vst.idx.msk vm0, v8;
	s0 =	simm.s32 @!p0 $0x1000  }
0x65: {  	s0 =	rddreg [dreg:$0x3]  }
0x66: {  	[hbm4b:s0+s19] =	stream.strided.scatter [tilespmem:s22], [sflag:$0x2], $0x1000, s24, s19, $0x38;
	[tilespmem:$0x5000] =	vst v63  }
0x67: {  	_ =	swait.ge [sflag:s21], $0x1000  }
0x68: {  	[sflag:s21] =	ssyncset.done $0x0  }
0x69: {  	[sflag:s21] =	ssyncadd.s32 $0xFFFFF000  }
0x6a: {  	[tilespmem:s26], [sflag:$0x1] =	stream.indirect.gather [hbm4b:s1+s25], $0x1, s23, s25, $0xb8;
	[tilespmem:$0x5000] =	vst v63  }
0x6b: {  	_ =	swait.ge [sflag:s28], $0x1000  }
0x6c: {  	[sflag:s28] =	ssyncset.done $0x0  }
0x6d: {  	s31 =	rddreg [dreg:$0x4];
	[sflag:s28] =	ssyncadd.s32 $0xFFFFF000  }
0x6e: {  	[hbm4b:s31+s19] =	stream.strided.scatter [tilespmem:s26], [sflag:$0x2], $0x1000, s24, s19, $0x38;
	[tilespmem:$0x5000] =	vst v63  }
0x6f: {  	_ =	swait.ge [sflag:s21], $0x1000  }
0x70: {  	s29 =	simm.s32 $0x0;
	[sflag:s21] =	ssyncset.done $0x0  }
0x71: {  	s2 =	simm.s32 $0x0;
	s0 =	simm.s32 $0x40;
	[sflag:s21] =	ssyncadd.s32 $0xFFFFF000  }
.LBB2_8:
0x72: {  	p0 =	sne.s32 s0, $0x3FC0;
	[tilespmem:s2+$0x2000] =	vst v0;
	s6 =	smov.u32 s0;
	s0 =	sadd.s32 $0x40, s0  }
.Ltmp3:
0x73: {  	[tilespmem:s2+$0x3000] =	vst v1;
	(pc) =	sbr.rel @p0 .LBB2_8-.Ltmp3, $2  }
0x74: {  	_ =	sdelay $0x2  }
0x75: {  	s2 =	sshra.s32 s6, $0x2  }
0x76: {  	[tilespmem:s2+$0x2000] =	vst v0  }
0x77: {  	[tilespmem:s2+$0x3000] =	vst v1;
	s30 =	smov.u32 s18;
	s31 =	simm.s32 $0x0  }
.LBB2_10:
0x78: {  	s0 =	sshll.u32 s31, $0xD  }
0x79: {  	s0 =	sadd.s32 s5, s0  }
0x7a: {  	s0 =	sshrl.u32 s0, $0x1  }
0x7b: {  	s2 =	simm.s32 $0x0;
	s0 =	sadd.s32 s0, s8  }
0x7c: {  	[tilespmem:s2], [sflag:$0x2] =	stream.strided.gather [hbm4b:s0+s19], $0x2000, s20, s19, $0x38;
	[tilespmem:$0x5000] =	vst v63  }
0x7d: {  	_ =	swait.ge [sflag:s21], $0x2000  }
0x7e: {  	[sflag:s21] =	ssyncset.done $0x0  }
0x7f: {  	s7 =	simm.s32 $0x0;
	[sflag:s21] =	ssyncadd.s32 $0xFFFFE000  }
0x80: {  	v6 =	vld [tilespmem:s7+$0x0];
	_ =	sdelay $0x1  }
0x81: {  	v7 =	vmov s30;
	v8 =	vor.u32 s30, v2  }
0x82: {  	v7 =	vshrl.u32 v7, $0xB;
	v8 =	vand.u32 $0x7FF, v8  }
0x83: {  	v7 =	vsub.s32 v8, v7  }
0x84: {  	vm1 =	vgt.s32 v7, $0x17;
	vm0 =	vgt.f32 v6, $9.800000190e-01  }
0x85: {  	vm0 =	vmand vm1, vm0  }
0x86: {  	v7 =	vsel vm0, $0x1, v1  }
0x87: {  	(xrf0) =	vadd.scan.msk.s32 $0xffff, v7;
	_ =	sdelay $0x2  }
0x88: {  	v7 =	vmov s29  }
0x89: {  	v7 =	vadd.s32 $0xFFFFFFFF, v7  }
0x8a: {  	v7 =	vbroadcast v7, $0x0  }
0x8b: {  	v63, _, _ =	vpop (xrf0)  }
0x8c: {  	v7 =	vadd.s32 v63, v7;
	(v2sf) =	vpush v63, $0xF  }
0x8d: {  	vm15 =	vgt.s32 v7, $0x0  }
0x8e: {  	v7 =	vnsel vm15, $0x0, v7  }
0x8f: {  	v7 =	vmin.u32 v7, $0xFFF;
	_ =	sdelay $0x4  }
0x90: {  	[tilespmem:v7+s22+$0x0] =	vst.idx.msk vm0, v6;
	v6 =	vadd.s32 s30, v3  }
0x91: {  	s6 =	simm.s32 $0x10;
	s2 =	simm.s32 $0x80;
	s0 =	smov.u32 s30;
	[tilespmem:v7+s23+$0x0] =	vst.idx.msk vm0, v6  }
.LBB2_11:
0x92: {  	p0 =	sne.s32 s2, $0x7FC0;
	v6 =	vld [tilespmem:s6+$0x0]  }
0x93: {  	s0 =	sadd.s32 $0x10, s0  }
0x94: {  	v7 =	vmov s0;
	v8 =	vor.u32 s0, v2  }
0x95: {  	v7 =	vshrl.u32 v7, $0xB;
	v8 =	vand.u32 $0x7FF, v8  }
0x96: {  	v7 =	vsub.s32 v8, v7  }
0x97: {  	vm1 =	vgt.s32 v7, $0x17;
	vm0 =	vgt.f32 v6, $9.800000190e-01;
	s6 =	spop (v2sf)  }
0x98: {  	vm0 =	vmand vm1, vm0;
	s29 =	sadd.s32 s29, s6  }
0x99: {  	v7 =	vsel vm0, $0x1, v1;
	p1 =	slt.s32 s29, $0x1000  }
0x9a: {  	(xrf0) =	vadd.scan.msk.s32 $0xffff, v7;
	s29 =	simm.s32 @!p1 $0x1000  }
0x9b: {  	v7 =	vmov s29  }
0x9c: {  	v7 =	vadd.s32 $0xFFFFFFFF, v7  }
0x9d: {  	v7 =	vbroadcast v7, $0x0;
	_ =	sdelay $0x2  }
0x9e: {  	v8, _, _ =	vpop (xrf0)  }
0x9f: {  	v7 =	vadd.s32 v8, v7;
	(v2sf) =	vpush v8, $0xF  }
0xa0: {  	vm1 =	vgt.s32 v7, $0x0  }
0xa1: {  	v7 =	vnsel vm1, $0x0, v7  }
0xa2: {  	v7 =	vmin.u32 v7, $0xFFF;
	_ =	sdelay $0x1  }
.Ltmp4:
0xa3: {  	(pc) =	sbr.rel @p0 .LBB2_11-.Ltmp4, $3  }
0xa4: {  	_ =	sdelay $0x1  }
0xa5: {  	[tilespmem:v7+s22+$0x0] =	vst.idx.msk vm0, v6;
	v6 =	vadd.s32 s0, v3  }
0xa6: {  	s6 =	sshra.s32 s2, $0x2;
	s2 =	sadd.s32 $0x40, s2;
	[tilespmem:v7+s23+$0x0] =	vst.idx.msk vm0, v6  }
0xa7: {  	v6 =	vld [tilespmem:s6+$0x0]  }
0xa8: {  	s0 =	sadd.s32 $0x10, s0  }
0xa9: {  	v7 =	vmov s0;
	v8 =	vor.u32 s0, v2  }
0xaa: {  	v7 =	vshrl.u32 v7, $0xB;
	v8 =	vand.u32 $0x7FF, v8  }
0xab: {  	v7 =	vsub.s32 v8, v7  }
0xac: {  	vm1 =	vgt.s32 v7, $0x17;
	vm0 =	vgt.f32 v6, $9.800000190e-01  }
0xad: {  	vm0 =	vmand vm1, vm0  }
0xae: {  	v7 =	vsel vm0, $0x1, v1  }
0xaf: {  	(xrf0) =	vadd.scan.msk.s32 $0xffff, v7;
	_ =	sdelay $0x5  }
0xb0: {  	v7, _, _ =	vpop (xrf0)  }
0xb1: {  	(v2sf) =	vpush v7, $0xF  }
0xb2: {  	s2 =	spop (v2sf)  }
0xb3: {  	s2 =	sadd.s32 s29, s2  }
0xb4: {  	p0 =	slt.s32 s2, $0x1000  }
0xb5: {  	s2 =	simm.s32 @!p0 $0x1000  }
0xb6: {  	v63 =	vmov s2  }
0xb7: {  	v8 =	vadd.s32 $0xFFFFFFFF, v63  }
0xb8: {  	v8 =	vbroadcast v8, $0x0;
	_ =	sdelay $0x1  }
0xb9: {  	v7 =	vadd.s32 v7, v8  }
0xba: {  	vm15 =	vgt.s32 v7, $0x0  }
0xbb: {  	v7 =	vnsel vm15, $0x0, v7  }
0xbc: {  	s31 =	sadd.s32 $0x1, s31;
	v7 =	vmin.u32 v7, $0xFFF  }
0xbd: {  	p1 =	sne.s32 s31, $0x10  }
.Ltmp5:
0xbe: {  	_ = 	snop;
	(pc) =	sbr.rel @p1 .LBB2_10-.Ltmp5, $4  }
0xbf: {  	s7 =	spop (v2sf)  }
0xc0: {  	s29 =	sadd.s32 s2, s7  }
0xc1: {  	[tilespmem:v7+s22+$0x0] =	vst.idx.msk vm0, v6;
	v6 =	vadd.s32 s0, v3;
	p0 =	slt.s32 s29, $0x1000  }
0xc2: {  	s30 =	sadd.s32 $0x2000, s30;
	[tilespmem:v7+s23+$0x0] =	vst.idx.msk vm0, v6;
	s29 =	simm.s32 @!p0 $0x1000  }
0xc3: {  	[hbm4b:s9+s19] =	stream.strided.scatter [tilespmem:s22], [sflag:$0x2], $0x1000, s24, s19, $0x38;
	[tilespmem:$0x5000] =	vst v63  }
0xc4: {  	_ =	swait.ge [sflag:s21], $0x1000  }
0xc5: {  	[sflag:s21] =	ssyncset.done $0x0  }
0xc6: {  	[sflag:s21] =	ssyncadd.s32 $0xFFFFF000  }
0xc7: {  	[tilespmem:s26], [sflag:$0x1] =	stream.indirect.gather [hbm4b:s1+s25], $0x1, s23, s25, $0xb8;
	[tilespmem:$0x5000] =	vst v63  }
0xc8: {  	_ =	swait.ge [sflag:s28], $0x1000  }
0xc9: {  	[sflag:s28] =	ssyncset.done $0x0  }
0xca: {  	[sflag:s28] =	ssyncadd.s32 $0xFFFFF000  }
0xcb: {  	[hbm4b:s10+s19] =	stream.strided.scatter [tilespmem:s26], [sflag:$0x2], $0x1000, s24, s19, $0x38;
	[tilespmem:$0x5000] =	vst v63  }
0xcc: {  	_ =	swait.ge [sflag:s21], $0x1000  }
0xcd: {  	s29 =	simm.s32 $0x0;
	[sflag:s21] =	ssyncset.done $0x0  }
0xce: {  	s0 =	simm.s32 $0x40;
	s2 =	simm.s32 $0x0;
	[sflag:s21] =	ssyncadd.s32 $0xFFFFF000  }
.LBB2_14:
0xcf: {  	p0 =	sne.s32 s0, $0x3FC0;
	[tilespmem:s2+$0x2000] =	vst v0;
	s6 =	smov.u32 s0;
	s0 =	sadd.s32 $0x40, s0  }
.Ltmp6:
0xd0: {  	[tilespmem:s2+$0x3000] =	vst v1;
	(pc) =	sbr.rel @p0 .LBB2_14-.Ltmp6, $2  }
0xd1: {  	_ =	sdelay $0x2  }
0xd2: {  	s2 =	sshra.s32 s6, $0x2  }
0xd3: {  	[tilespmem:s2+$0x2000] =	vst v0  }
0xd4: {  	[tilespmem:s2+$0x3000] =	vst v1;
	s30 =	smov.u32 s18;
	s31 =	simm.s32 $0x0  }
.LBB2_16:
0xd5: {  	s0 =	sshll.u32 s31, $0xD  }
0xd6: {  	s0 =	sadd.s32 s5, s0  }
0xd7: {  	s0 =	sshrl.u32 s0, $0x1  }
0xd8: {  	s2 =	simm.s32 $0x0;
	s0 =	sadd.s32 s0, s11  }
0xd9: {  	[tilespmem:s2], [sflag:$0x2] =	stream.strided.gather [hbm4b:s0+s19], $0x2000, s20, s19, $0x38;
	[tilespmem:$0x5000] =	vst v63  }
0xda: {  	_ =	swait.ge [sflag:s21], $0x2000  }
0xdb: {  	[sflag:s21] =	ssyncset.done $0x0  }
0xdc: {  	s7 =	simm.s32 $0x0;
	[sflag:s21] =	ssyncadd.s32 $0xFFFFE000  }
0xdd: {  	v6 =	vld [tilespmem:s7+$0x0];
	_ =	sdelay $0x1  }
0xde: {  	v7 =	vmov s30;
	v8 =	vor.u32 s30, v2  }
0xdf: {  	v7 =	vshrl.u32 v7, $0xB;
	v8 =	vand.u32 $0x7FF, v8  }
0xe0: {  	v7 =	vsub.s32 v8, v7  }
0xe1: {  	vm1 =	vgt.s32 v7, $0x17;
	vm0 =	vgt.f32 v6, $9.800000190e-01  }
0xe2: {  	vm0 =	vmand vm1, vm0  }
0xe3: {  	v7 =	vsel vm0, $0x1, v1  }
0xe4: {  	(xrf0) =	vadd.scan.msk.s32 $0xffff, v7;
	_ =	sdelay $0x2  }
0xe5: {  	v7 =	vmov s29  }
0xe6: {  	v7 =	vadd.s32 $0xFFFFFFFF, v7  }
0xe7: {  	v7 =	vbroadcast v7, $0x0  }
0xe8: {  	v63, _, _ =	vpop (xrf0)  }
0xe9: {  	v7 =	vadd.s32 v63, v7;
	(v2sf) =	vpush v63, $0xF  }
0xea: {  	vm15 =	vgt.s32 v7, $0x0  }
0xeb: {  	v7 =	vnsel vm15, $0x0, v7  }
0xec: {  	v7 =	vmin.u32 v7, $0xFFF;
	_ =	sdelay $0x4  }
0xed: {  	[tilespmem:v7+s22+$0x0] =	vst.idx.msk vm0, v6;
	v6 =	vadd.s32 s30, v4  }
0xee: {  	s6 =	simm.s32 $0x10;
	s2 =	simm.s32 $0x80;
	s0 =	smov.u32 s30;
	[tilespmem:v7+s23+$0x0] =	vst.idx.msk vm0, v6  }
.LBB2_17:
0xef: {  	p0 =	sne.s32 s2, $0x7FC0;
	v6 =	vld [tilespmem:s6+$0x0]  }
0xf0: {  	s0 =	sadd.s32 $0x10, s0  }
0xf1: {  	v7 =	vmov s0;
	v8 =	vor.u32 s0, v2  }
0xf2: {  	v7 =	vshrl.u32 v7, $0xB;
	v8 =	vand.u32 $0x7FF, v8  }
0xf3: {  	v7 =	vsub.s32 v8, v7  }
0xf4: {  	vm1 =	vgt.s32 v7, $0x17;
	vm0 =	vgt.f32 v6, $9.800000190e-01;
	s6 =	spop (v2sf)  }
0xf5: {  	vm0 =	vmand vm1, vm0;
	s29 =	sadd.s32 s29, s6  }
0xf6: {  	v7 =	vsel vm0, $0x1, v1;
	p1 =	slt.s32 s29, $0x1000  }
0xf7: {  	(xrf0) =	vadd.scan.msk.s32 $0xffff, v7;
	s29 =	simm.s32 @!p1 $0x1000  }
0xf8: {  	v7 =	vmov s29  }
0xf9: {  	v7 =	vadd.s32 $0xFFFFFFFF, v7  }
0xfa: {  	v7 =	vbroadcast v7, $0x0;
	_ =	sdelay $0x2  }
0xfb: {  	v8, _, _ =	vpop (xrf0)  }
0xfc: {  	v7 =	vadd.s32 v8, v7;
	(v2sf) =	vpush v8, $0xF  }
0xfd: {  	vm1 =	vgt.s32 v7, $0x0  }
0xfe: {  	v7 =	vnsel vm1, $0x0, v7  }
0xff: {  	v7 =	vmin.u32 v7, $0xFFF;
	_ =	sdelay $0x1  }
.Ltmp7:
0x100: {  	(pc) =	sbr.rel @p0 .LBB2_17-.Ltmp7, $3  }
0x101: {  	_ =	sdelay $0x1  }
0x102: {  	[tilespmem:v7+s22+$0x0] =	vst.idx.msk vm0, v6;
	v6 =	vadd.s32 s0, v4  }
0x103: {  	s6 =	sshra.s32 s2, $0x2;
	s2 =	sadd.s32 $0x40, s2;
	[tilespmem:v7+s23+$0x0] =	vst.idx.msk vm0, v6  }
0x104: {  	v6 =	vld [tilespmem:s6+$0x0]  }
0x105: {  	s0 =	sadd.s32 $0x10, s0  }
0x106: {  	v7 =	vmov s0;
	v8 =	vor.u32 s0, v2  }
0x107: {  	v7 =	vshrl.u32 v7, $0xB;
	v8 =	vand.u32 $0x7FF, v8  }
0x108: {  	v7 =	vsub.s32 v8, v7  }
0x109: {  	vm1 =	vgt.s32 v7, $0x17;
	vm0 =	vgt.f32 v6, $9.800000190e-01  }
0x10a: {  	vm0 =	vmand vm1, vm0  }
0x10b: {  	v7 =	vsel vm0, $0x1, v1  }
0x10c: {  	(xrf0) =	vadd.scan.msk.s32 $0xffff, v7;
	_ =	sdelay $0x5  }
0x10d: {  	v7, _, _ =	vpop (xrf0)  }
0x10e: {  	(v2sf) =	vpush v7, $0xF  }
0x10f: {  	s2 =	spop (v2sf)  }
0x110: {  	s2 =	sadd.s32 s29, s2  }
0x111: {  	p0 =	slt.s32 s2, $0x1000  }
0x112: {  	s2 =	simm.s32 @!p0 $0x1000  }
0x113: {  	v63 =	vmov s2  }
0x114: {  	v8 =	vadd.s32 $0xFFFFFFFF, v63  }
0x115: {  	v8 =	vbroadcast v8, $0x0;
	_ =	sdelay $0x1  }
0x116: {  	v7 =	vadd.s32 v7, v8  }
0x117: {  	vm15 =	vgt.s32 v7, $0x0  }
0x118: {  	v7 =	vnsel vm15, $0x0, v7  }
0x119: {  	s31 =	sadd.s32 $0x1, s31;
	v7 =	vmin.u32 v7, $0xFFF  }
0x11a: {  	p1 =	sne.s32 s31, $0x10  }
.Ltmp8:
0x11b: {  	_ = 	snop;
	(pc) =	sbr.rel @p1 .LBB2_16-.Ltmp8, $4  }
0x11c: {  	s7 =	spop (v2sf)  }
0x11d: {  	s29 =	sadd.s32 s2, s7  }
0x11e: {  	[tilespmem:v7+s22+$0x0] =	vst.idx.msk vm0, v6;
	v6 =	vadd.s32 s0, v4;
	p0 =	slt.s32 s29, $0x1000  }
0x11f: {  	s30 =	sadd.s32 $0x2000, s30;
	[tilespmem:v7+s23+$0x0] =	vst.idx.msk vm0, v6;
	s29 =	simm.s32 @!p0 $0x1000  }
0x120: {  	[hbm4b:s12+s19] =	stream.strided.scatter [tilespmem:s22], [sflag:$0x2], $0x1000, s24, s19, $0x38;
	[tilespmem:$0x5000] =	vst v63  }
0x121: {  	_ =	swait.ge [sflag:s21], $0x1000  }
0x122: {  	[sflag:s21] =	ssyncset.done $0x0  }
0x123: {  	[sflag:s21] =	ssyncadd.s32 $0xFFFFF000  }
0x124: {  	[tilespmem:s26], [sflag:$0x1] =	stream.indirect.gather [hbm4b:s1+s25], $0x1, s23, s25, $0xb8;
	[tilespmem:$0x5000] =	vst v63  }
0x125: {  	_ =	swait.ge [sflag:s28], $0x1000  }
0x126: {  	[sflag:s28] =	ssyncset.done $0x0  }
0x127: {  	[sflag:s28] =	ssyncadd.s32 $0xFFFFF000  }
0x128: {  	[hbm4b:s13+s19] =	stream.strided.scatter [tilespmem:s26], [sflag:$0x2], $0x1000, s24, s19, $0x38;
	[tilespmem:$0x5000] =	vst v63  }
0x129: {  	_ =	swait.ge [sflag:s21], $0x1000  }
0x12a: {  	s29 =	simm.s32 $0x0;
	[sflag:s21] =	ssyncset.done $0x0  }
0x12b: {  	s0 =	simm.s32 $0x40;
	s2 =	simm.s32 $0x0;
	[sflag:s21] =	ssyncadd.s32 $0xFFFFF000  }
.LBB2_20:
0x12c: {  	p0 =	sne.s32 s0, $0x3FC0;
	[tilespmem:s2+$0x2000] =	vst v0;
	s6 =	smov.u32 s0;
	s0 =	sadd.s32 $0x40, s0  }
.Ltmp9:
0x12d: {  	[tilespmem:s2+$0x3000] =	vst v1;
	(pc) =	sbr.rel @p0 .LBB2_20-.Ltmp9, $2  }
0x12e: {  	_ =	sdelay $0x2  }
0x12f: {  	s2 =	sshra.s32 s6, $0x2  }
0x130: {  	[tilespmem:s2+$0x2000] =	vst v0  }
0x131: {  	[tilespmem:s2+$0x3000] =	vst v1;
	s30 =	smov.u32 s18;
	s31 =	simm.s32 $0x0  }
.LBB2_22:
0x132: {  	s0 =	sshll.u32 s31, $0xD  }
0x133: {  	s0 =	sadd.s32 s5, s0  }
0x134: {  	s0 =	sshrl.u32 s0, $0x1  }
0x135: {  	s2 =	simm.s32 $0x0;
	s0 =	sadd.s32 s0, s14  }
0x136: {  	[tilespmem:s2], [sflag:$0x2] =	stream.strided.gather [hbm4b:s0+s19], $0x2000, s20, s19, $0x38;
	[tilespmem:$0x5000] =	vst v63  }
0x137: {  	_ =	swait.ge [sflag:s21], $0x2000  }
0x138: {  	[sflag:s21] =	ssyncset.done $0x0  }
0x139: {  	s7 =	simm.s32 $0x0;
	[sflag:s21] =	ssyncadd.s32 $0xFFFFE000  }
0x13a: {  	v6 =	vld [tilespmem:s7+$0x0];
	_ =	sdelay $0x1  }
0x13b: {  	v7 =	vmov s30;
	v8 =	vor.u32 s30, v2  }
0x13c: {  	v7 =	vshrl.u32 v7, $0xB;
	v8 =	vand.u32 $0x7FF, v8  }
0x13d: {  	v7 =	vsub.s32 v8, v7  }
0x13e: {  	vm1 =	vgt.s32 v7, $0x17;
	vm0 =	vgt.f32 v6, $9.800000190e-01  }
0x13f: {  	vm0 =	vmand vm1, vm0  }
0x140: {  	v7 =	vsel vm0, $0x1, v1  }
0x141: {  	(xrf0) =	vadd.scan.msk.s32 $0xffff, v7;
	_ =	sdelay $0x2  }
0x142: {  	v7 =	vmov s29  }
0x143: {  	v7 =	vadd.s32 $0xFFFFFFFF, v7  }
0x144: {  	v7 =	vbroadcast v7, $0x0  }
0x145: {  	v63, _, _ =	vpop (xrf0)  }
0x146: {  	v7 =	vadd.s32 v63, v7;
	(v2sf) =	vpush v63, $0xF  }
0x147: {  	vm15 =	vgt.s32 v7, $0x0  }
0x148: {  	v7 =	vnsel vm15, $0x0, v7  }
0x149: {  	v7 =	vmin.u32 v7, $0xFFF;
	_ =	sdelay $0x4  }
0x14a: {  	[tilespmem:v7+s22+$0x0] =	vst.idx.msk vm0, v6;
	v6 =	vadd.s32 s30, v5  }
0x14b: {  	s6 =	simm.s32 $0x10;
	s2 =	simm.s32 $0x80;
	s0 =	smov.u32 s30;
	[tilespmem:v7+s23+$0x0] =	vst.idx.msk vm0, v6  }
.LBB2_23:
0x14c: {  	p0 =	sne.s32 s2, $0x7FC0;
	v6 =	vld [tilespmem:s6+$0x0]  }
0x14d: {  	s0 =	sadd.s32 $0x10, s0  }
0x14e: {  	v7 =	vmov s0;
	v8 =	vor.u32 s0, v2  }
0x14f: {  	v7 =	vshrl.u32 v7, $0xB;
	v8 =	vand.u32 $0x7FF, v8  }
0x150: {  	v7 =	vsub.s32 v8, v7  }
0x151: {  	vm1 =	vgt.s32 v7, $0x17;
	vm0 =	vgt.f32 v6, $9.800000190e-01;
	s6 =	spop (v2sf)  }
0x152: {  	vm0 =	vmand vm1, vm0;
	s29 =	sadd.s32 s29, s6  }
0x153: {  	v7 =	vsel vm0, $0x1, v1;
	p1 =	slt.s32 s29, $0x1000  }
0x154: {  	(xrf0) =	vadd.scan.msk.s32 $0xffff, v7;
	s29 =	simm.s32 @!p1 $0x1000  }
0x155: {  	v7 =	vmov s29  }
0x156: {  	v7 =	vadd.s32 $0xFFFFFFFF, v7  }
0x157: {  	v7 =	vbroadcast v7, $0x0;
	_ =	sdelay $0x2  }
0x158: {  	v8, _, _ =	vpop (xrf0)  }
0x159: {  	v7 =	vadd.s32 v8, v7;
	(v2sf) =	vpush v8, $0xF  }
0x15a: {  	vm1 =	vgt.s32 v7, $0x0  }
0x15b: {  	v7 =	vnsel vm1, $0x0, v7  }
0x15c: {  	v7 =	vmin.u32 v7, $0xFFF;
	_ =	sdelay $0x1  }
.Ltmp10:
0x15d: {  	(pc) =	sbr.rel @p0 .LBB2_23-.Ltmp10, $3  }
0x15e: {  	_ =	sdelay $0x1  }
0x15f: {  	[tilespmem:v7+s22+$0x0] =	vst.idx.msk vm0, v6;
	v6 =	vadd.s32 s0, v5  }
0x160: {  	s6 =	sshra.s32 s2, $0x2;
	s2 =	sadd.s32 $0x40, s2;
	[tilespmem:v7+s23+$0x0] =	vst.idx.msk vm0, v6  }
0x161: {  	v6 =	vld [tilespmem:s6+$0x0]  }
0x162: {  	s0 =	sadd.s32 $0x10, s0  }
0x163: {  	v7 =	vmov s0;
	v8 =	vor.u32 s0, v2  }
0x164: {  	v7 =	vshrl.u32 v7, $0xB;
	v8 =	vand.u32 $0x7FF, v8  }
0x165: {  	v7 =	vsub.s32 v8, v7  }
0x166: {  	vm1 =	vgt.s32 v7, $0x17;
	vm0 =	vgt.f32 v6, $9.800000190e-01  }
0x167: {  	vm0 =	vmand vm1, vm0  }
0x168: {  	v7 =	vsel vm0, $0x1, v1  }
0x169: {  	(xrf0) =	vadd.scan.msk.s32 $0xffff, v7;
	_ =	sdelay $0x5  }
0x16a: {  	v7, _, _ =	vpop (xrf0)  }
0x16b: {  	(v2sf) =	vpush v7, $0xF  }
0x16c: {  	s2 =	spop (v2sf)  }
0x16d: {  	s2 =	sadd.s32 s29, s2  }
0x16e: {  	p0 =	slt.s32 s2, $0x1000  }
0x16f: {  	s2 =	simm.s32 @!p0 $0x1000  }
0x170: {  	v63 =	vmov s2  }
0x171: {  	v8 =	vadd.s32 $0xFFFFFFFF, v63  }
0x172: {  	v8 =	vbroadcast v8, $0x0;
	_ =	sdelay $0x1  }
0x173: {  	v7 =	vadd.s32 v7, v8  }
0x174: {  	vm15 =	vgt.s32 v7, $0x0  }
0x175: {  	v7 =	vnsel vm15, $0x0, v7  }
0x176: {  	s31 =	sadd.s32 $0x1, s31;
	v7 =	vmin.u32 v7, $0xFFF  }
0x177: {  	p1 =	sne.s32 s31, $0x10  }
.Ltmp11:
0x178: {  	_ = 	snop;
	(pc) =	sbr.rel @p1 .LBB2_22-.Ltmp11, $4  }
0x179: {  	s7 =	spop (v2sf)  }
0x17a: {  	s29 =	sadd.s32 s2, s7  }
0x17b: {  	[tilespmem:v7+s22+$0x0] =	vst.idx.msk vm0, v6;
	v6 =	vadd.s32 s0, v5;
	p0 =	slt.s32 s29, $0x1000  }
0x17c: {  	s30 =	sadd.s32 $0x2000, s30;
	[tilespmem:v7+s23+$0x0] =	vst.idx.msk vm0, v6;
	s29 =	simm.s32 @!p0 $0x1000  }
0x17d: {  	[hbm4b:s15+s19] =	stream.strided.scatter [tilespmem:s22], [sflag:$0x2], $0x1000, s24, s19, $0x38;
	[tilespmem:$0x5000] =	vst v63  }
0x17e: {  	_ =	swait.ge [sflag:s21], $0x1000  }
0x17f: {  	[sflag:s21] =	ssyncset.done $0x0  }
0x180: {  	[sflag:s21] =	ssyncadd.s32 $0xFFFFF000  }
0x181: {  	[tilespmem:s26], [sflag:$0x1] =	stream.indirect.gather [hbm4b:s1+s25], $0x1, s23, s25, $0xb8;
	[tilespmem:$0x5000] =	vst v63  }
0x182: {  	s3 =	sadd.s32 $0x1, s3;
	_ =	swait.ge [sflag:s28], $0x1000  }
0x183: {  	p0 =	sne.s32 s3, s17;
	[sflag:s28] =	ssyncset.done $0x0  }
.Ltmp12:
0x184: {  	[sflag:s28] =	ssyncadd.s32 $0xFFFFF000;
	(pc) =	sbr.rel @p0 .LBB2_1-.Ltmp12, $4  }
0x185: {  	[hbm4b:s16+s19] =	stream.strided.scatter [tilespmem:s26], [sflag:$0x2], $0x1000, s24, s19, $0x38;
	[tilespmem:$0x5000] =	vst v63  }
0x186: {  	_ =	swait.ge [sflag:s21], $0x1000  }
0x187: {  	[sflag:s21] =	ssyncset.done $0x0  }
0x188: {  	[sflag:s21] =	ssyncadd.s32 $0xFFFFF000  }
0x189: {  	_ =	sfence.sel $0x180000  }
0x18a: {  	[bflag:$0x0] =	sbarrier.arrive $0xFFFF  }
0x18b: {  	_ =	strace $0x9000004D  }
0x18c: {  	s0 =	stileid.u32;
	[bflag:$0x2] =	sbarrier.arrive $0xFFFF  }
0x18d: {  	p0 =	sne.s32 s0, $0x0;
	s0 =	rddreg [dreg:$0x2]  }
0x18e: {  	s0 =	sadd.s32 @!p0 $0x100000, s0  }
0x18f: {  	[sflag:s0] =	ssyncadd.tile.s32 @!p0 $0x1;
	_ =	shalt  }
.Lfunc_end2:
_tile_overlayer_lowered:
.L_overlay_start_2:
0x190: {  	(tag) =	ssettag $0x2  }
0x191: {  	s0 =	rddreg [dreg:$0x0];
	s2 =	stileid.u32  }
0x192: {  	s1 =	rddreg [dreg:$0x1];
	p0 =	sne.s32 s2, $0x0  }
0x193: {  	s3 =	rddreg [dreg:$0x2];
	[bflag:$0x3] =	sbarrier.arrive $0xFFFF;
	s2 =	simm.s32 @!p0 $0x1C02  }
0x194: {  	[timem:s3], [sflag:s2] =	dma.local @!p0 [hbm:s0], s1  }
0x195: {  	s0 =	simm.s32 @!p0 $0x2  }
0x196: {  	_ =	swait.ge @!p0 [sflag:s0], s1  }
0x197: {  	s1 =	ssub.s32 @!p0 $0x0, s1;
	[sflag:s0] =	ssyncset.done @!p0 $0x0  }
0x198: {  	[sflag:s0] =	ssyncadd.s32 @!p0 s1  }
0x199: {  	[bflag:$0x3] =	sbarrier.arrive $0xFFFF  }
0x19a: {  	_ =	shalt  }

// kernel: sparse-core-data-format-call.1.cloned.1.call-start
scs
called_computation.1_lowered:
.L_overlay_start_0:
0x0: {  	s2 =	sld [smem:$0x3FD9]  }
0x1: {  	s3 =	sld [smem:$0x3FFE];
	_ =	sdelay $0x1  }
0x2: {  	s1 =	srdreg.scid  }
0x3: {  	s0 =	sand.u32 $0x1, s1  }
0x4: {  	s18 =	sshll.u32 s0, $0xA;
	s2 =	sadd.s32 s3, s2  }
0x5: {  	s2 =	sadd.s32 s2, s18  }
0x6: {  	[smem:$0x3FC5] =	sst s2  }
0x7: {  	_ = 	snop  }
0x8: {  	s2 =	sld [smem:$0x3FC9];
	(tm) =	ssettm $0x1  }
0x9: {  	s19 =	sld [smem:$0x3FFB];
	_ =	sdelay $0x3  }
0xa: {  	_ =	strace s19  }
0xb: {  	s3 =	sld [smem:$0x3FFC];
	_ =	sdelay $0x3  }
0xc: {  	_ =	strace s3  }
0xd: {  	s3 =	sld [smem:$0x3FFD];
	_ =	sdelay $0x3  }
0xe: {  	_ =	strace s3  }
0xf: {  	_ =	strace $0x8FFFFFFF  }
0x10: {  	s20 =	sld [smem:$0x3FDB];
	_ =	sdelay $0x1  }
0x11: {  	s4 =	simm.s32 $_scs_section_size  }
0x12: {  	s5 =	simm.s32 $_size__tile_overlayer_lowered;
	s6 =	simm.s32 $_tile_overlayer_lowered  }
0x13: {  	s23 =	simm.s32 $0x1BFF;
	s22 =	sshll.u32 s6, $0x1;
	s3 =	sadd.s32 s4, s20  }
0x14: {  	s7 =	simm.s32 $0x0;
	s21 =	sshll.u32 s5, $0x1;
	s5 =	sadd.s32 s22, s3  }
0x15: {  	[timem:s7], [sflag:s23] =	dma.local [hbm:s5], s21  }
0x16: {  	_ =	swait.ge [sflag:s23], s21  }
0x17: {  	s4 =	ssub.s32 $0x0, s21;
	[sflag:s23] =	ssyncset.done $0x0  }
0x18: {  	[sflag:s23] =	ssyncadd.s32 s4;
	_ =	sdelay $0x1  }
0x19: {  	s24 =	simm.s32 $0x1B8B  }
0x1a: {  	_ =	swait.ge [sflag:s24], $0x1  }
0x1b: {  	[sflag:s24] =	ssyncset.done $0x0  }
0x1c: {  	s26 =	simm.s32 $0x1B8E;
	s25 =	sld [smem:$0x3FFE];
	[sflag:s24] =	ssyncadd.s32 $0xFFFFFFFF  }
0x1d: {  	s27 =	simm.s32 $execute0_lowered;
	[smem:$0x3FD2] =	sst s26  }
0x1e: {  	s5 =	sshll.u32 s27, $0x1;
	_ =	strace $0x80000046;
	[dreg:$0x1] =	wrdreg $0xFFFFFFFF  }
0x1f: {  	s28 =	simm.s32 $_size_execute0_lowered;
	s3 =	sadd.s32 s3, s5;
	[dreg:$0x0] =	wrdreg $0x0  }
0x20: {  	s5 =	sshll.u32 s28, $0x1;
	[dreg:$0x2] =	wrdreg s3  }
0x21: {  	[dreg:$0x3] =	wrdreg s5  }
0x22: {  	[dreg:$0x4] =	wrdreg $0xC0  }
0x23: {  	_ =	task [dreg:s7], $0x5FFFF  }
0x24: {  	[dreg:$0x1] =	wrdreg $0xFFFFFFFF  }
0x25: {  	[dreg:$0x0] =	wrdreg $0x60  }
0x26: {  	[dreg:$0x2] =	wrdreg s2  }
0x27: {  	[dreg:$0x3] =	wrdreg s25  }
0x28: {  	[dreg:$0x4] =	wrdreg $0xA  }
0x29: {  	_ =	task.clear_ibuf [dreg:s7], $0x5FFFF;
	_ =	strace $0x90000046  }
0x2a: {  	s29 =	simm.s32 $0xA;
	_ =	strace $0x80000048  }
0x2b: {  	_ =	swait.ge [sflag:s29], $0x1  }
0x2c: {  	[sflag:s29] =	ssyncadd.s32 $0xFFFFFFFF  }
0x2d: {  	_ =	strace $0x90000048  }
0x2e: {  	_ =	sfence  }
0x2f: {  	s30 =	sld [smem:$0x0];
	_ =	sdelay $0x2  }
0x30: {  	s31 =	sshll.u32 s1, $0xD;
	s1 =	sshrl.u32 s1, $0x2  }
0x31: {  	s3 =	sand.u32 $0x4000, s31;
	s1 =	sadd.s32 s1, s30  }
0x32: {  	s0 =	sor.u32 s3, s0;
	s1 =	sshll.u32 s1, $0x11  }
0x33: {  	s0 =	sor.u32 s1, s0  }
0x34: {  	s0 =	sadd.s32 $0x8F2B, s0  }
0x35: {  	[sflag:s0] =	ssyncadd.remote.s32 $0x1  }
0x36: {  	_ =	sfence.sel $0xFFFF  }
0x37: {  	[dreg:$0x0] =	wrdreg $0xFFFFFFFF;
	(pc) =	sbr.abs _section_cstart, $3  }
0x38: {  	[dreg:$0x1] =	wrdreg $0xFFFFFFFF  }
0x39: {  	_ =	task.clear_ibuf [dreg:s7], $0x2FFFF;
	_ =	strace $0x9FFFFFFF  }
0x3a: {  	(tm) =	ssettm $0x7FFFFFFF  }
0x3b: {  	_ =	shalt  }
tec
execute0_lowered:
.L_overlay_start_1:
0x0: {  	(tag) =	ssettag $0x1  }
0x1: {  	s0 =	stileid.u32;
	s1 =	srdreg.scid  }
0x2: {  	s4 =	rddreg [dreg:$0x1];
	s7 =	simm.s32 $0x1;
	s31 =	simm.s32 $0x2  }
0x3: {  	s15 =	simm.s32 $0x0;
	s2 =	sshll.u32 s0, $0x5;
	s1 =	sshll.u32 s1, $0x9  }
0x4: {  	s9 =	simm.s32 $0x2000;
	s10 =	simm.s32 $0x0;
	s1 =	sor.u32 s2, s1  }
0x5: {  	s16 =	simm.s32 $0x0;
	s17 =	simm.s32 $0x0;
	s3 =	sand.u32 $0x380, s1  }
0x6: {  	s11 =	simm.s32 $0x0;
	s14 =	simm.s32 $0x0;
	s5 =	ssub.s32 $0x800, s3  }
0x7: {  	s4 =	sadd.s32 $0x1A00, s4;
	s2 =	rddreg [dreg:$0x0];
	s6 =	sand.u32 $0x380, s5  }
.Ltmp0:
0x8: {  	s1 =	rddreg [dreg:$0x2];
	p0 =	sne.s32 s6, $0x0;
	(pc) =	sbr.rel .LBB1_1-.Ltmp0, $4  }
0x9: {  	_ =	strace $0x80000047;
	s8 =	sshrl.u32 s5, $0xA;
	s7 =	simm.s32 @!p0 $0x0  }
0xa: {  	s12 =	smov.u32 s3;
	s6 =	simm.s32 $0x1;
	s7 =	sadd.s32 s7, s8  }
0xb: {  	s5 =	sand.u32 $0x3, s0;
	[sflag:s6] =	ssyncpa.u1 $0x0;
	s7 =	sshll.u32 s7, $0x4  }
0xc: {  	s13 =	smov.u32 s5;
	[sflag:s31] =	ssyncpa.u1 $0x0;
	s8 =	sor.u32 $0x1, s7  }
.LBB1_4:
0xd: {  	_ =	sdelay $0x3  }
0xe: {  	[tilespmem:v0+s20+$0xFFFFFFA0 ss:$0x1] =	vst.idx.msk $0xffff, v6  }
0xf: {  	v56 =	vld.idx.msk [tilespmem:v1+s19+$0x30 ss:$0x1], $0xffff;
	[tilespmem:v0+s20+$0xFFFFFFB0 ss:$0x1] =	vst.idx.msk $0xffff, v4  }
0x10: {  	v57 =	vld.idx.msk [tilespmem:v1+s19+$0xFFFFFFC0 ss:$0x1], $0xffff;
	[tilespmem:v0+s20+$0xFFFFFFC0 ss:$0x1] =	vst.idx.msk $0xffff, v2  }
0x11: {  	v58 =	vld.idx.msk [tilespmem:v1+s19+$0xFFFFFFD0 ss:$0x1], $0xffff;
	[tilespmem:v0+s20+$0xFFFFFFD0 ss:$0x1] =	vst.idx.msk $0xffff, v3  }
0x12: {  	v59 =	vld.idx.msk [tilespmem:v1+s19+$0xFFFFFFE0 ss:$0x1], $0xffff;
	[tilespmem:v0+s20+$0xFFFFFFE0 ss:$0x1] =	vst.idx.msk $0xffff, v5  }
0x13: {  	v60 =	vld.idx.msk [tilespmem:v1+s19+$0xFFFFFFF0 ss:$0x1], $0xffff;
	[tilespmem:v0+s20+$0xFFFFFFF0 ss:$0x1] =	vst.idx.msk $0xffff, v7  }
0x14: {  	v61 =	vld.idx.msk [tilespmem:v1+s19+$0x0 ss:$0x1], $0xffff;
	[tilespmem:v0+s19+$0x0 ss:$0x1] =	vst.idx.msk $0xffff, v56  }
0x15: {  	v62 =	vld.idx.msk [tilespmem:v1+s19+$0x10 ss:$0x1], $0xffff;
	[tilespmem:v0+s19+$0xFFFFFF90 ss:$0x1] =	vst.idx.msk $0xffff, v57  }
0x16: {  	s17 =	sshll.u32 s17, $0x7;
	v63 =	vld.idx.msk [tilespmem:v1+s19+$0x20 ss:$0x1], $0xffff;
	s28 =	sand.u32 $0x78, s15;
	s21 =	sshll.u32 s15, $0x2;
	[tilespmem:v0+s19+$0xFFFFFFA0 ss:$0x1] =	vst.idx.msk $0xffff, v58  }
0x17: {  	s16 =	sshll.u32 s16, $0xA;
	s30 =	sshrl.u32 s15, $0x1;
	s17 =	sand.u32 $0x180, s17;
	[tilespmem:v0+s19+$0xFFFFFFB0 ss:$0x1] =	vst.idx.msk $0xffff, v59  }
0x18: {  	s31 =	sand.u32 $0x7, s15;
	s29 =	sand.u32 $0x600, s21;
	s17 =	sor.u32 s17, s28;
	[tilespmem:v0+s19+$0xFFFFFFC0 ss:$0x1] =	vst.idx.msk $0xffff, v60  }
0x19: {  	s20 =	sand.u32 $0x300, s30;
	s16 =	sadd.s32 s4, s16;
	s17 =	sor.u32 s29, s17;
	[tilespmem:v0+s19+$0xFFFFFFD0 ss:$0x1] =	vst.idx.msk $0xffff, v61  }
0x1a: {  	s15 =	sshll.u32 s31, $0x12;
	s16 =	sadd.s32 s20, s16;
	s17 =	sshrl.u32 s17, $0x3;
	[tilespmem:v0+s19+$0xFFFFFFE0 ss:$0x1] =	vst.idx.msk $0xffff, v62  }
0x1b: {  	s15 =	sor.u32 $0x80, s15;
	[tilespmem:v0+s19+$0xFFFFFFF0 ss:$0x1] =	vst.idx.msk $0xffff, v63;
	s16 =	sadd.s32 s17, s16  }
0x1c: {  	[hbm4b:s16+s15] =	stream.strided.scatter [tilespmem:s18], [sflag:$0x2], $0x4000, s9, s15, $0x38;
	[tilespmem:$0x10000] =	vst v63  }
.LBB1_5:
0x1d: {  	s18 =	sadd.s32 $0x80, s11  }
0x1e: {  	s15 =	sadd.s32 $0x400, s12;
	s19 =	smov.u32 s12;
	p1 =	sgt.s32 s18, $0x7FF  }
0x1f: {  	s19 =	smov.u32 @p1 s15  }
0x20: {  	s21 =	smov.u32 s13;
	s15 =	sadd.s32 $0x4, s13;
	p2 =	sgt.s32 s19, $0x7FF  }
0x21: {  	s21 =	smov.u32 @p2 s15  }
0x22: {  	s18 =	simm.s32 @p1 $0x0;
	p1 =	sgt.s32 s21, $0x3  }
0x23: {  	p0 =	slt.u32 s14, $0x2;
	s21 =	smov.u32 @p1 s5;
	p1 =	sne.s32 s14, s8  }
.Ltmp1:
0x24: {  	s20 =	simm.s32 @!p0 $0x2;
	(pc) =	sbr.rel @!p1 .LBB1_6-.Ltmp1, $4  }
0x25: {  	s16 =	smov.u32 s12;
	s17 =	smov.u32 s13;
	_ =	swait.ge @!p0 [sflag:s20], $0x4000  }
0x26: {  	s10 =	sadd.s32 $0x4000, s10;
	[sflag:s20] =	ssyncset.done @!p0 $0x0;
	s19 =	smov.u32 @p2 s3  }
0x27: {  	s15 =	smov.u32 s11;
	[sflag:s20] =	ssyncadd.s32 @!p0 $0xFFFFC000;
	s11 =	smov.u32 s18  }
0x28: {  	s12 =	smov.u32 s19;
	s14 =	sadd.s32 $0x1, s14;
	s13 =	smov.u32 s21  }
.LBB1_1:
0x29: {  	p0 =	sge.u32 s14, s7;
	s31 =	sadd.s32 $0xFFFFFFFF, s14  }
0x2a: {  	s18 =	sxor.u32 @!p0 $0xFFFFFFFF, s14;
	s19 =	sand.u32 @!p0 $0x78, s11;
	s20 =	sshll.u32 @!p0 s12, $0xB  }
0x2b: {  	s21 =	sshll.u32 @!p0 s12, $0x7;
	s22 =	sshll.u32 @!p0 s11, $0x3;
	s18 =	sshll.u32 @!p0 s18, $0xE  }
0x2c: {  	s20 =	sand.u32 @!p0 $0x3FC000, s20;
	s21 =	sand.u32 @!p0 $0x380, s21;
	s18 =	sand.u32 @!p0 $0x4000, s18  }
0x2d: {  	s20 =	sadd.s32 @!p0 s20, s22;
	s22 =	sand.u32 @!p0 $0x400, s22;
	s19 =	sor.u32 @!p0 s21, s19  }
0x2e: {  	s21 =	sshll.u32 @!p0 s13, $0x13;
	s19 =	sor.u32 @!p0 s22, s19;
	s20 =	sshrl.u32 @!p0 s20, $0x3  }
0x2f: {  	s21 =	sadd.s32 @!p0 s2, s21;
	s22 =	sand.u32 @!p0 $0x7, s11;
	s20 =	sand.u32 @!p0 $0x7FF00, s20  }
0x30: {  	s19 =	sshrl.u32 @!p0 s19, $0x3;
	s20 =	sadd.s32 @!p0 s20, s21;
	s21 =	sshll.u32 @!p0 s22, $0x12  }
0x31: {  	s19 =	sadd.s32 @!p0 s19, s20;
	s20 =	sor.u32 @!p0 $0x400, s21;
	s21 =	simm.s32 @!p0 $0x4000  }
0x32: {  	[tilespmem:s18], [sflag:$0x1] =	stream.strided.gather @!p0 [hbm4b:s19+s20], $0x4000, s21, s20, $0x38;
	[tilespmem:$0x10000] =	vst v63  }
0x33: {  	p0 =	sge.u32 s31, s7  }
.Ltmp2:
0x34: {  	_ = 	snop;
	(pc) =	sbr.rel @p0 .LBB1_5-.Ltmp2, $1  }
0x35: {  	_ =	sdelay $0x3  }
0x36: {  	s18 =	sand.u32 $0x4000, s10  }
0x37: {  	s19 =	sor.u32 $0x40, s18  }
0x38: {  	v1 =	vmov s19;
	_ =	sdelay $0x1  }
0x39: {  	_ =	swait.ge [sflag:s6], $0x4000  }
0x3a: {  	[sflag:s6] =	ssyncset.done $0x0  }
0x3b: {  	s20 =	simm.s32 $0x0;
	[sflag:s6] =	ssyncadd.s32 $0xFFFFC000  }
0x3c: {  	s18 =	sor.u32 $0x8070, s18;
	v7 =	vld.idx.msk [tilespmem:v1+s20+$0x30 ss:$0x1], $0xffff  }
0x3d: {  	v0 =	vmov s18;
	v8 =	vld.idx.msk [tilespmem:v1+s20+$0xFFFFFFC0 ss:$0x1], $0xffff  }
0x3e: {  	v6 =	vld.idx.msk [tilespmem:v1+s20+$0xFFFFFFD0 ss:$0x1], $0xffff  }
0x3f: {  	v4 =	vld.idx.msk [tilespmem:v1+s20+$0xFFFFFFE0 ss:$0x1], $0xffff  }
0x40: {  	v2 =	vld.idx.msk [tilespmem:v1+s20+$0xFFFFFFF0 ss:$0x1], $0xffff  }
0x41: {  	s31 =	sshll.u32 s14, $0xE;
	v3 =	vld.idx.msk [tilespmem:v1+s20+$0x0 ss:$0x1], $0xffff  }
0x42: {  	s18 =	sand.u32 $0x4000, s31;
	v5 =	vld.idx.msk [tilespmem:v1+s20+$0x10 ss:$0x1], $0xffff;
	[tilespmem:v0+s20+$0x0 ss:$0x1] =	vst.idx.msk $0xffff, v7  }
0x43: {  	s21 =	simm.s32 $0x400;
	s19 =	simm.s32 $0x80;
	s18 =	sor.u32 $0x8000, s18;
	[tilespmem:v0+s20+$0xFFFFFF90 ss:$0x1] =	vst.idx.msk $0xffff, v8;
	v7 =	vld.idx.msk [tilespmem:v1+s20+$0x20 ss:$0x1], $0xffff  }
.LBB1_3:
0x44: {  	p0 =	sne.s32 s21, $0xFE00;
	v8 =	vld.idx.msk [tilespmem:v1+s19+$0x30 ss:$0x1], $0xffff;
	[tilespmem:v0+s20+$0xFFFFFFA0 ss:$0x1] =	vst.idx.msk $0xffff, v6  }
0x45: {  	v9 =	vld.idx.msk [tilespmem:v1+s19+$0xFFFFFFC0 ss:$0x1], $0xffff;
	[tilespmem:v0+s20+$0xFFFFFFB0 ss:$0x1] =	vst.idx.msk $0xffff, v4  }
0x46: {  	v6 =	vld.idx.msk [tilespmem:v1+s19+$0xFFFFFFD0 ss:$0x1], $0xffff;
	[tilespmem:v0+s20+$0xFFFFFFC0 ss:$0x1] =	vst.idx.msk $0xffff, v2  }
.Ltmp3:
0x47: {  	v4 =	vld.idx.msk [tilespmem:v1+s19+$0xFFFFFFE0 ss:$0x1], $0xffff;
	[tilespmem:v0+s20+$0xFFFFFFD0 ss:$0x1] =	vst.idx.msk $0xffff, v3;
	(pc) =	sbr.rel @p0 .LBB1_3-.Ltmp3, $4  }
0x48: {  	v2 =	vld.idx.msk [tilespmem:v1+s19+$0xFFFFFFF0 ss:$0x1], $0xffff;
	[tilespmem:v0+s20+$0xFFFFFFE0 ss:$0x1] =	vst.idx.msk $0xffff, v5  }
0x49: {  	v3 =	vld.idx.msk [tilespmem:v1+s19+$0x0 ss:$0x1], $0xffff;
	[tilespmem:v0+s20+$0xFFFFFFF0 ss:$0x1] =	vst.idx.msk $0xffff, v7;
	s20 =	smov.u32 s19  }
0x4a: {  	v5 =	vld.idx.msk [tilespmem:v1+s20+$0x10 ss:$0x1], $0xffff;
	[tilespmem:v0+s20+$0x0 ss:$0x1] =	vst.idx.msk $0xffff, v8  }
0x4b: {  	s19 =	sshra.s32 s21, $0x2;
	s21 =	sadd.s32 $0x200, s21;
	[tilespmem:v0+s20+$0xFFFFFF90 ss:$0x1] =	vst.idx.msk $0xffff, v9;
	v7 =	vld.idx.msk [tilespmem:v1+s20+$0x20 ss:$0x1], $0xffff  }
.Ltmp4:
0x4c: {  	_ = 	snop;
	(pc) =	sbr.rel .LBB1_4-.Ltmp4, $1  }
0x4d: {  	_ =	sdelay $0x3  }
.LBB1_6:
0x4e: {  	_ =	sfence.sel $0x180000  }
0x4f: {  	s2 =	simm.s32 $0x1;
	[bflag:$0x0] =	sbarrier.arrive $0xFFFF  }
0x50: {  	s31 =	simm.s32 $0x2;
	[sflag:s2] =	ssyncpa.u1 $0x1  }
0x51: {  	[sflag:s31] =	ssyncpa.u1 $0x1  }
0x52: {  	p0 =	sne.s32 s0, $0x0;
	_ =	strace $0x90000047  }
0x53: {  	s0 =	sadd.s32 @!p0 $0x100000, s1;
	[bflag:$0x2] =	sbarrier.arrive $0xFFFF  }
0x54: {  	[sflag:s0] =	ssyncadd.tile.s32 @!p0 $0x1;
	_ =	shalt  }
.Lfunc_end1:
_tile_overlayer_lowered:
.L_overlay_start_2:
0x55: {  	(tag) =	ssettag $0x2  }
0x56: {  	s0 =	rddreg [dreg:$0x0];
	s2 =	stileid.u32  }
0x57: {  	s1 =	rddreg [dreg:$0x1];
	p0 =	sne.s32 s2, $0x0  }
0x58: {  	s3 =	rddreg [dreg:$0x2];
	[bflag:$0x3] =	sbarrier.arrive $0xFFFF;
	s2 =	simm.s32 @!p0 $0x1C01  }
0x59: {  	[timem:s3], [sflag:s2] =	dma.local @!p0 [hbm:s0], s1  }
0x5a: {  	s0 =	simm.s32 @!p0 $0x1  }
0x5b: {  	_ =	swait.ge @!p0 [sflag:s0], s1  }
0x5c: {  	s1 =	ssub.s32 @!p0 $0x0, s1;
	[sflag:s0] =	ssyncset.done @!p0 $0x0  }
0x5d: {  	[sflag:s0] =	ssyncadd.s32 @!p0 s1  }
0x5e: {  	[bflag:$0x3] =	sbarrier.arrive $0xFFFF  }
0x5f: {  	_ =	shalt  }

// kernel: sparse-core-data-format-call.cloned.1.call-start
scs
called_computation_lowered:
.L_overlay_start_0:
0x0: {  	s2 =	sld [smem:$0x3FD9]  }
0x1: {  	s3 =	sld [smem:$0x3FFE];
	_ =	sdelay $0x1  }
0x2: {  	s1 =	srdreg.scid  }
0x3: {  	s0 =	sand.u32 $0x1, s1  }
0x4: {  	s17 =	sshll.u32 s0, $0xA;
	s2 =	sadd.s32 s3, s2  }
0x5: {  	s2 =	sadd.s32 s2, s17  }
0x6: {  	[smem:$0x3FC5] =	sst s2  }
0x7: {  	_ = 	snop  }
0x8: {  	s18 =	sld [smem:$0x3FD0];
	_ =	sdelay $0x2  }
0x9: {  	s4 =	simm.s32 $0xB;
	s5 =	simm.s32 $0x10;
	s2 =	sld [smem:$0x3FC7]  }
0xa: {  	[smem:s5], [sflag:s4] =	dma.local [hbm:s18], $0x1  }
0xb: {  	_ =	swait.eq [sflag:s4], $0x1  }
0xc: {  	[sflag:s4] =	ssyncset.done $0x0  }
0xd: {  	[sflag:s4] =	ssyncadd.s32 $0xFFFFFFFF  }
0xe: {  	s19 =	sld [smem:$0x14];
	(tm) =	ssettm $0x1  }
0xf: {  	s20 =	sld [smem:$0x3FFB];
	_ =	sdelay $0x3  }
0x10: {  	_ =	strace s20  }
0x11: {  	s3 =	sld [smem:$0x3FFC];
	_ =	sdelay $0x3  }
0x12: {  	_ =	strace s3  }
0x13: {  	s3 =	sld [smem:$0x3FFD];
	_ =	sdelay $0x3  }
0x14: {  	_ =	strace s3  }
0x15: {  	_ =	strace $0x8FFFFFFF  }
0x16: {  	s21 =	sld [smem:$0x3FDB];
	_ =	sdelay $0x1  }
0x17: {  	s22 =	simm.s32 $_scs_section_size  }
0x18: {  	s6 =	simm.s32 $_size__tile_overlayer_lowered;
	s7 =	simm.s32 $_tile_overlayer_lowered  }
0x19: {  	s8 =	simm.s32 $0x1BFF;
	s23 =	sshll.u32 s7, $0x1;
	s5 =	sadd.s32 s22, s21  }
0x1a: {  	s24 =	simm.s32 $0x0;
	s6 =	sshll.u32 s6, $0x1;
	s7 =	sadd.s32 s23, s5  }
0x1b: {  	[timem:s24], [sflag:s8] =	dma.local [hbm:s7], s6  }
0x1c: {  	_ =	swait.ge [sflag:s8], s6  }
0x1d: {  	s6 =	ssub.s32 $0x0, s6;
	[sflag:s8] =	ssyncset.done $0x0  }
0x1e: {  	[sflag:s8] =	ssyncadd.s32 s6;
	_ =	sdelay $0x1  }
0x1f: {  	s25 =	simm.s32 $0x1B8B  }
0x20: {  	_ =	swait.ge [sflag:s25], $0x1  }
0x21: {  	[sflag:s25] =	ssyncset.done $0x0  }
0x22: {  	[sflag:s25] =	ssyncadd.s32 $0xFFFFFFFF  }
0x23: {  	s6 =	sld [smem:$0x0]  }
0x24: {  	s7 =	sand.u32 $0xFFFFFFFE, s1  }
0x25: {  	p0 =	sne.s32 s1, s7  }
0x26: {  	s7 =	sshll.u32 @p0 s7, $0xE  }
0x27: {  	s7 =	sadd.s32 @p0 $0x11B8D, s7;
	s8 =	sshll.u32 @p0 s6, $0x11  }
0x28: {  	s7 =	sor.u32 @p0 s8, s7  }
0x29: {  	[sflag:s7] =	ssyncadd.remote.s32 @p0 $0x1;
	_ =	sdelay $0x1  }
0x2a: {  	s7 =	simm.s32 @p0 $0x1B8D  }
0x2b: {  	_ =	swait.eq @p0 [sflag:s7], $0x1  }
0x2c: {  	[sflag:s7] =	ssyncadd.s32 @p0 $0xFFFFFFFF  }
0x2d: {  	s8 =	sshll.u32 @!p0 s1, $0xE  }
0x2e: {  	s8 =	sor.u32 @!p0 $0x4000, s8;
	s7 =	simm.s32 @!p0 $0x1B8D  }
0x2f: {  	s6 =	sshll.u32 @!p0 s6, $0x11;
	s8 =	sadd.s32 @!p0 $0x11B8D, s8;
	_ =	swait.eq @!p0 [sflag:s7], $0x1  }
0x30: {  	s6 =	sor.u32 @!p0 s6, s8;
	[sflag:s7] =	ssyncadd.s32 @!p0 $0xFFFFFFFF  }
0x31: {  	s26 =	simm.s32 $0x1B8E;
	[sflag:s6] =	ssyncadd.remote.s32 @!p0 $0x1  }
0x32: {  	s27 =	simm.s32 $execute0_lowered;
	[smem:$0x3FD2] =	sst s26  }
0x33: {  	s6 =	sshll.u32 s27, $0x1;
	_ =	strace $0x80000049;
	[dreg:$0x1] =	wrdreg $0xFFFFFFFF  }
0x34: {  	s28 =	simm.s32 $_size_execute0_lowered;
	s5 =	sadd.s32 s5, s6;
	[dreg:$0x0] =	wrdreg $0x0  }
0x35: {  	s6 =	sshll.u32 s28, $0x1;
	[dreg:$0x2] =	wrdreg s5  }
0x36: {  	[dreg:$0x3] =	wrdreg s6  }
0x37: {  	[dreg:$0x4] =	wrdreg $0xC0  }
0x38: {  	_ =	task [dreg:s24], $0x5FFFF  }
0x39: {  	[dreg:$0x1] =	wrdreg $0xFFFFFFFF  }
0x3a: {  	[dreg:$0x0] =	wrdreg $0x60  }
0x3b: {  	[dreg:$0x2] =	wrdreg s2  }
0x3c: {  	[dreg:$0x3] =	wrdreg s19  }
0x3d: {  	[dreg:$0x4] =	wrdreg $0x9  }
0x3e: {  	_ =	task.clear_ibuf [dreg:s24], $0x5FFFF;
	_ =	strace $0x90000049  }
0x3f: {  	s29 =	simm.s32 $0x9;
	_ =	strace $0x8000004B  }
0x40: {  	_ =	swait.ge [sflag:s29], $0x1  }
0x41: {  	[sflag:s29] =	ssyncadd.s32 $0xFFFFFFFF  }
0x42: {  	_ =	strace $0x9000004B  }
0x43: {  	_ =	sfence  }
0x44: {  	s30 =	sld [smem:$0x0];
	_ =	sdelay $0x2  }
0x45: {  	s31 =	sshll.u32 s1, $0xD;
	s1 =	sshrl.u32 s1, $0x2  }
0x46: {  	s4 =	sand.u32 $0x4000, s31;
	s1 =	sadd.s32 s1, s30  }
0x47: {  	s0 =	sor.u32 s4, s0;
	s1 =	sshll.u32 s1, $0x11  }
0x48: {  	s0 =	sor.u32 s1, s0  }
0x49: {  	s0 =	sadd.s32 $0x8F2B, s0  }
0x4a: {  	[sflag:s0] =	ssyncadd.remote.s32 $0x1  }
0x4b: {  	_ =	sfence.sel $0xFFFF  }
0x4c: {  	[dreg:$0x0] =	wrdreg $0xFFFFFFFF;
	(pc) =	sbr.abs _section_cstart, $3  }
0x4d: {  	[dreg:$0x1] =	wrdreg $0xFFFFFFFF  }
0x4e: {  	_ =	task.clear_ibuf [dreg:s24], $0x2FFFF;
	_ =	strace $0x9FFFFFFF  }
0x4f: {  	(tm) =	ssettm $0x7FFFFFFF  }
tec
execute0_lowered:
.L_overlay_start_1:
0x0: {  	(tag) =	ssettag $0x1  }
0x1: {  	s2 =	rddreg [dreg:$0x0]  }
0x2: {  	s3 =	rddreg [dreg:$0x1]  }
0x3: {  	s0 =	rddreg [dreg:$0x2];
	s4 =	srdreg.scid  }
.Ltmp0:
0x4: {  	_ =	strace $0x8000004A;
	s1 =	stileid.u32;
	(pc) =	sbr.rel .LBB1_1-.Ltmp0, $4  }
0x5: {  	s6 =	simm.s32 $0x2;
	p0 =	por $0x0, $0x0;
	s5 =	sshll.u32 s4, $0x4  }
0x6: {  	s9 =	simm.s32 $0x0;
	s4 =	simm.s32 $0x1;
	s5 =	sand.u32 $0x10, s5  }
0x7: {  	s7 =	simm.s32 $0x0;
	[sflag:s4] =	ssyncpa.u1 $0x0;
	s5 =	sor.u32 s1, s5  }
0x8: {  	[sflag:s6] =	ssyncpa.u1 $0x0;
	s6 =	simm.s32 $0x0;
	s8 =	smov.u32 s5  }
.LBB1_7:
0x9: {  	s11 =	sadd.s32 $0x20, s8  }
0xa: {  	p1 =	slt.u32 s7, $0x2;
	s7 =	sadd.s32 $0x1, s7;
	p2 =	sgt.s32 s11, $0x3FF  }
0xb: {  	s11 =	smov.u32 @p2 s5;
	p2 =	sne.s32 s7, $0x22  }
.Ltmp1:
0xc: {  	_ = 	snop;
	(pc) =	sbr.rel @!p2 .LBB1_8-.Ltmp1, $4  }
0xd: {  	s10 =	simm.s32 @!p1 $0x2  }
0xe: {  	_ =	swait.ge @!p1 [sflag:s10], $0x4000  }
0xf: {  	s9 =	smov.u32 s8;
	[sflag:s10] =	ssyncset.done @!p1 $0x0  }
0x10: {  	p0 =	por !p0, !p0;
	s8 =	smov.u32 s11;
	[sflag:s10] =	ssyncadd.s32 @!p1 $0xFFFFC000  }
.LBB1_1:
0x11: {  	p1 =	sgt.u32 s7, $0x1F  }
0x12: {  	s10 =	sxor.u32 @!p1 $0xFFFFFFFF, s7  }
0x13: {  	s11 =	sshll.u32 @!p1 s8, $0xB;
	s10 =	sshll.u32 @!p1 s10, $0xE  }
0x14: {  	s12 =	simm.s32 @!p1 $0x0;
	s11 =	sadd.s32 @!p1 s2, s11;
	s10 =	sand.u32 @!p1 $0x4000, s10  }
0x15: {  	[tilespmem:s10], [sflag:$0x1] =	stream.linear.gather @!p1 [hbm4b:s11+s12], $0x4000, $0x38;
	[tilespmem:$0x10000] =	vst v63  }
0x16: {  	p1 =	seq.s32 s7, $0x0  }
0x17: {  	p2 =	seq.s32 @!p1 s7, $0x21  }
0x18: {  	p1 =	por p1, p2  }
.Ltmp2:
0x19: {  	_ = 	snop;
	(pc) =	sbr.rel @p1 .LBB1_7-.Ltmp2, $1  }
0x1a: {  	_ =	sdelay $0x3  }
0x1b: {  	s10 =	simm.s32 $0x1;
	_ =	swait.ge [sflag:s4], $0x4000;
	s12 =	sshll.u32 s7, $0xE  }
0x1c: {  	s13 =	simm.s32 $0x0;
	s10 =	simm.s32 @!p0 $0x0;
	[sflag:s4] =	ssyncset.done $0x0  }
0x1d: {  	s12 =	sand.u32 $0x4000, s12;
	s11 =	sshll.u32 s10, $0xE;
	[sflag:s4] =	ssyncadd.s32 $0xFFFFC000  }
0x1e: {  	s12 =	sor.u32 $0x8000, s12;
	s10 =	sor.u32 $0x8040, s11;
	s11 =	sor.u32 $0x40, s11  }
.LBB1_3:
0x1f: {  	v0 =	vmov s11;
	_ =	sdelay $0x3  }
0x20: {  	s15 =	simm.s32 $0x0  }
0x21: {  	v6 =	vld.idx.msk [tilespmem:v0+s15+$0x30 ss:$0x1], $0xffff  }
0x22: {  	v7 =	vld.idx.msk [tilespmem:v0+s15+$0xFFFFFFC0 ss:$0x1], $0xffff  }
0x23: {  	v5 =	vld.idx.msk [tilespmem:v0+s15+$0xFFFFFFD0 ss:$0x1], $0xffff  }
0x24: {  	v4 =	vld.idx.msk [tilespmem:v0+s15+$0xFFFFFFE0 ss:$0x1], $0xffff  }
0x25: {  	v3 =	vld.idx.msk [tilespmem:v0+s15+$0xFFFFFFF0 ss:$0x1], $0xffff  }
0x26: {  	v1 =	vld.idx.msk [tilespmem:v0+s15+$0x0 ss:$0x1], $0xffff  }
0x27: {  	v2 =	vld.idx.msk [tilespmem:v0+s15+$0x10 ss:$0x1], $0xffff;
	[tilespmem:s10+$0x30] =	vst v6  }
0x28: {  	s14 =	simm.s32 $0x80;
	s16 =	simm.s32 $0x400;
	[tilespmem:s10+$0xFFFFFFC0] =	vst v7;
	v6 =	vld.idx.msk [tilespmem:v0+s15+$0x20 ss:$0x1], $0xffff;
	s15 =	smov.u32 s10  }
.LBB1_4:
0x29: {  	p1 =	sne.s32 s16, $0xE00;
	v7 =	vld.idx.msk [tilespmem:v0+s14+$0x30 ss:$0x1], $0xffff;
	[tilespmem:s15+$0xFFFFFFD0] =	vst v5  }
0x2a: {  	v8 =	vld.idx.msk [tilespmem:v0+s14+$0xFFFFFFC0 ss:$0x1], $0xffff;
	[tilespmem:s15+$0xFFFFFFE0] =	vst v4  }
0x2b: {  	v5 =	vld.idx.msk [tilespmem:v0+s14+$0xFFFFFFD0 ss:$0x1], $0xffff;
	[tilespmem:s15+$0xFFFFFFF0] =	vst v3  }
.Ltmp3:
0x2c: {  	v4 =	vld.idx.msk [tilespmem:v0+s14+$0xFFFFFFE0 ss:$0x1], $0xffff;
	[tilespmem:s15+$0x0] =	vst v1;
	(pc) =	sbr.rel @p1 .LBB1_4-.Ltmp3, $4  }
0x2d: {  	v3 =	vld.idx.msk [tilespmem:v0+s14+$0xFFFFFFF0 ss:$0x1], $0xffff;
	[tilespmem:s15+$0x10] =	vst v2  }
0x2e: {  	v1 =	vld.idx.msk [tilespmem:v0+s14+$0x0 ss:$0x1], $0xffff;
	[tilespmem:s15+$0x20] =	vst v6;
	s15 =	sadd.s32 $0x800, s15  }
0x2f: {  	v2 =	vld.idx.msk [tilespmem:v0+s14+$0x10 ss:$0x1], $0xffff;
	[tilespmem:s15+$0x30] =	vst v7  }
0x30: {  	[tilespmem:s15+$0xFFFFFFC0] =	vst v8;
	v6 =	vld.idx.msk [tilespmem:v0+s14+$0x20 ss:$0x1], $0xffff;
	s14 =	sshra.s32 s16, $0x2;
	s16 =	sadd.s32 $0x200, s16  }
0x31: {  	_ =	sdelay $0x2  }
0x32: {  	[tilespmem:s15+$0xFFFFFFD0] =	vst v5  }
0x33: {  	v56 =	vld.idx.msk [tilespmem:v0+s14+$0x30 ss:$0x1], $0xffff;
	[tilespmem:s15+$0xFFFFFFE0] =	vst v4  }
0x34: {  	v57 =	vld.idx.msk [tilespmem:v0+s14+$0xFFFFFFC0 ss:$0x1], $0xffff;
	[tilespmem:s15+$0xFFFFFFF0] =	vst v3  }
0x35: {  	v58 =	vld.idx.msk [tilespmem:v0+s14+$0xFFFFFFD0 ss:$0x1], $0xffff;
	[tilespmem:s15+$0x0] =	vst v1  }
0x36: {  	v59 =	vld.idx.msk [tilespmem:v0+s14+$0xFFFFFFE0 ss:$0x1], $0xffff;
	[tilespmem:s15+$0x10] =	vst v2  }
0x37: {  	v60 =	vld.idx.msk [tilespmem:v0+s14+$0xFFFFFFF0 ss:$0x1], $0xffff;
	s31 =	sadd.s32 $0x800, s15;
	[tilespmem:s15+$0x20] =	vst v6  }
0x38: {  	v61 =	vld.idx.msk [tilespmem:v0+s14+$0x0 ss:$0x1], $0xffff;
	[tilespmem:s31+$0x30] =	vst v56  }
0x39: {  	v62 =	vld.idx.msk [tilespmem:v0+s14+$0x10 ss:$0x1], $0xffff;
	s13 =	sadd.s32 $0x1, s13;
	[tilespmem:s31+$0xFFFFFFC0] =	vst v57  }
0x3a: {  	v63 =	vld.idx.msk [tilespmem:v0+s14+$0x20 ss:$0x1], $0xffff;
	p1 =	sne.s32 s13, $0x10;
	[tilespmem:s31+$0xFFFFFFD0] =	vst v58  }
.Ltmp4:
0x3b: {  	[tilespmem:s31+$0xFFFFFFE0] =	vst v59;
	(pc) =	sbr.rel @p1 .LBB1_3-.Ltmp4, $4  }
0x3c: {  	[tilespmem:s31+$0xFFFFFFF0] =	vst v60  }
0x3d: {  	[tilespmem:s31+$0x0] =	vst v61  }
0x3e: {  	[tilespmem:s31+$0x10] =	vst v62  }
0x3f: {  	s10 =	sadd.s32 $0x80, s10;
	s11 =	sadd.s32 $0x400, s11;
	[tilespmem:s31+$0x20] =	vst v63  }
.Ltmp5:
0x40: {  	(pc) =	sbr.rel .LBB1_7-.Ltmp5, $4  }
0x41: {  	_ = 	snop  }
0x42: {  	s9 =	sshll.u32 s9, $0xB  }
0x43: {  	s9 =	sadd.s32 s3, s9  }
0x44: {  	[hbm4b:s9+s6] =	stream.linear.scatter [tilespmem:s12], [sflag:$0x2], $0x4000, $0x38;
	[tilespmem:$0x10000] =	vst v63  }
.LBB1_8:
0x45: {  	_ =	sfence.sel $0x180000  }
0x46: {  	s2 =	simm.s32 $0x1;
	[bflag:$0x0] =	sbarrier.arrive $0xFFFF  }
0x47: {  	s31 =	simm.s32 $0x2;
	[sflag:s2] =	ssyncpa.u1 $0x1  }
0x48: {  	[sflag:s31] =	ssyncpa.u1 $0x1  }
0x49: {  	p0 =	sne.s32 s1, $0x0;
	_ =	strace $0x9000004A  }
0x4a: {  	s0 =	sadd.s32 @!p0 $0x100000, s0;
	[bflag:$0x2] =	sbarrier.arrive $0xFFFF  }
0x4b: {  	[sflag:s0] =	ssyncadd.tile.s32 @!p0 $0x1;
	_ =	shalt  }
.Lfunc_end1:
_tile_overlayer_lowered:
.L_overlay_start_2:
0x4c: {  	(tag) =	ssettag $0x2  }
0x4d: {  	s0 =	rddreg [dreg:$0x0];
	s2 =	stileid.u32  }
0x4e: {  	s1 =	rddreg [dreg:$0x1];
	p0 =	sne.s32 s2, $0x0  }
0x4f: {  	s3 =	rddreg [dreg:$0x2];
	[bflag:$0x3] =	sbarrier.arrive $0xFFFF;
	s2 =	simm.s32 @!p0 $0x1C01  }
0x50: {  	[timem:s3], [sflag:s2] =	dma.local @!p0 [hbm:s0], s1  }
0x51: {  	s0 =	simm.s32 @!p0 $0x1  }
0x52: {  	_ =	swait.ge @!p0 [sflag:s0], s1  }
0x53: {  	s1 =	ssub.s32 @!p0 $0x0, s1;
	[sflag:s0] =	ssyncset.done @!p0 $0x0  }
0x54: {  	[sflag:s0] =	ssyncadd.s32 @!p0 s1  }
0x55: {  	[bflag:$0x3] =	sbarrier.arrive $0xFFFF  }
0x56: {  	_ =	shalt  }

</sc_bundles>
